<compile_context>
chip_gen: v7x
topology: tpu7x:2x2x1
jax: 0.10.2.dev20260603
libtpu: 0.0.44.dev20260713+nightly
codegen_flags: <defaults>
</compile_context>

<pallas_src>
import functools

import jax
import jax.numpy as jnp
from jax import lax
from jax.experimental import pallas as pl
from jax.experimental.pallas import tpu as pltpu
from jax.experimental.pallas import tpu_sc as plsc

_N = 10000
_E = 320000
_F_IN = 128
_HID = 16
_NC = 7

_NPAD = 10240
_NW = 32
_NS = 16
_RPS = _NPAD // _NS
_CW = 1024
_NBUF = 2
_CHUNKS = 10
_GROUPS = _CHUNKS // _NBUF
_EPT = _CHUNKS * _CW
_EPAD = _EPT * _NW
_DEGQ = 2

_BLK = 2048
_GRID = _NPAD // _BLK

_mesh = plsc.VectorSubcoreMesh(core_axis_name="c", subcore_axis_name="s")
_sc_params = pltpu.CompilerParams(use_tc_tiling_on_sc=False)


@functools.partial(
    pl.kernel,
    out_type=jax.ShapeDtypeStruct((2, _NPAD, _HID), jnp.float32),
    mesh=_mesh,
    scratch_types=[
        pltpu.VMEM((_CHUNKS, _CW), jnp.int32),
        pltpu.VMEM((_CW, _HID), jnp.float32),
        pltpu.VMEM_SHARED((_NPAD, _HID), jnp.float32),
    ] + [pltpu.SemaphoreType.DMA] * max(_DEGQ, 3),
    compiler_params=_sc_params,
)
def _deg_kernel(dst_hbm, zeros_hbm, ones_hbm, out_hbm, idx_v, ones_v, acc, *sems):
    c = lax.axis_index("c")
    s = lax.axis_index("s")
    w = c * _NS + s
    d0 = pltpu.async_copy(zeros_hbm, acc.at[pl.ds(s * _RPS, _RPS)], sems[0])
    d1 = pltpu.async_copy(ones_hbm, ones_v, sems[1])
    d2 = pltpu.async_copy(dst_hbm.at[w], idx_v, sems[2])
    d0.wait()
    d1.wait()
    d2.wait()
    plsc.subcore_barrier()

    def scat(b, j):
        pltpu.async_copy(ones_v, acc.at[idx_v.at[j]], sems[b], add=True)

    def scat_wait(b, j):
        pltpu.make_async_copy(ones_v, acc.at[idx_v.at[j]], sems[b]).wait()

    for b in range(_DEGQ):
        scat(b, b)

    def body(g, carry):
        base = _DEGQ * g
        for b in range(_DEGQ):
            scat_wait(b, base + b)
            scat(b, base + _DEGQ + b)
        return carry

    ngrp = _CHUNKS // _DEGQ - 1
    lax.fori_loop(0, ngrp, body, 0)
    for b in range(_DEGQ):
        scat_wait(b, _CHUNKS - _DEGQ + b)
    plsc.subcore_barrier()
    pltpu.sync_copy(acc.at[pl.ds(s * _RPS, _RPS)],
                    out_hbm.at[c, pl.ds(s * _RPS, _RPS)])


@functools.partial(
    pl.kernel,
    out_type=jax.ShapeDtypeStruct((2, _NPAD, _HID), jnp.float32),
    mesh=_mesh,
    scratch_types=[
        pltpu.VMEM((_CHUNKS, _CW), jnp.int32),
        pltpu.VMEM((_CHUNKS, _CW), jnp.int32),
    ] + [pltpu.VMEM((_CW, _HID), jnp.float32)] * _NBUF
      + [pltpu.VMEM_SHARED((_NPAD, _HID), jnp.float32)]
      + [pltpu.SemaphoreType.DMA] * (2 * _NBUF),
    compiler_params=_sc_params,
)
def _agg_kernel(hs_hbm, src_hbm, dst_hbm, zeros_hbm, out_hbm,
                src_v, dst_v, *rest):
    rows = rest[:_NBUF]
    acc = rest[_NBUF]
    gsem = rest[_NBUF + 1:2 * _NBUF + 1]
    ssem = rest[2 * _NBUF + 1:]
    c = lax.axis_index("c")
    s = lax.axis_index("s")
    w = c * _NS + s
    d0 = pltpu.async_copy(zeros_hbm, acc.at[pl.ds(s * _RPS, _RPS)], gsem[0])
    d1 = pltpu.async_copy(src_hbm.at[w], src_v, gsem[1])
    d2 = pltpu.async_copy(dst_hbm.at[w], dst_v, ssem[0])
    d0.wait()
    d1.wait()
    d2.wait()
    plsc.subcore_barrier()

    def gath(b, j):
        pltpu.async_copy(hs_hbm.at[src_v.at[j]], rows[b], gsem[b])

    def gath_wait(b, j):
        pltpu.make_async_copy(hs_hbm.at[src_v.at[j]], rows[b], gsem[b]).wait()

    def scat(b, j):
        pltpu.async_copy(rows[b], acc.at[dst_v.at[j]], ssem[b], add=True)

    def scat_wait(b, j):
        pltpu.make_async_copy(rows[b], acc.at[dst_v.at[j]], ssem[b]).wait()

    for b in range(_NBUF):
        gath(b, b)

    def body(g, carry):
        base = _NBUF * g
        for b in range(_NBUF):
            gath_wait(b, base + b)
            scat(b, base + b)

        @pl.when(g < _GROUPS - 1)
        def _():
            for b in range(_NBUF):
                scat_wait(b, base + b)
                gath(b, base + _NBUF + b)

        return carry

    lax.fori_loop(0, _GROUPS, body, 0)
    for b in range(_NBUF):
        scat_wait(b, _CHUNKS - _NBUF + b)
    plsc.subcore_barrier()
    pltpu.sync_copy(acc.at[pl.ds(s * _RPS, _RPS)],
                    out_hbm.at[c, pl.ds(s * _RPS, _RPS)])


def _dinv_block(dega):
    deg = dega[0, :, 0] + dega[1, :, 0] + 1.0
    return lax.rsqrt(deg)


def _row_scale(pid, dinv):
    rows = pid * _BLK + lax.broadcasted_iota(jnp.int32, (_BLK,), 0)
    return jnp.where(rows < _N, dinv, 0.0)


def _phase_a_body(x_ref, w1_ref, dega_ref, hs1_ref):
    pid = pl.program_id(0)
    h = jnp.dot(x_ref[...], w1_ref[...], preferred_element_type=jnp.float32)
    dinv = _dinv_block(dega_ref[...])
    hs1_ref[...] = h * _row_scale(pid, dinv)[:, None]


def _phase_b_body(agg_ref, hs1_ref, dega_ref, w2_ref, b1_ref, hs2_ref):
    pid = pl.program_id(0)
    a = agg_ref[...]
    dinv = _dinv_block(dega_ref[...])
    out1 = jnp.maximum(dinv[:, None] * (a[0] + a[1] + hs1_ref[...]) + b1_ref[0], 0.0)
    h2 = jnp.dot(out1, w2_ref[...], preferred_element_type=jnp.float32)
    hs2_ref[...] = h2 * _row_scale(pid, dinv)[:, None]


def _phase_c_body(agg_ref, hs2_ref, dega_ref, b2_ref, out_ref):
    a = agg_ref[...]
    dinv = _dinv_block(dega_ref[...])
    logits = dinv[:, None] * (a[0] + a[1] + hs2_ref[...]) + b2_ref[0]
    col = lax.broadcasted_iota(jnp.int32, (_BLK, _HID), 1)
    valid = col < _NC
    ml = jnp.where(valid, logits, jnp.float32(-1e30))
    m = jnp.max(ml, axis=1, keepdims=True)
    e = jnp.where(valid, jnp.exp(ml - m), 0.0)
    lse = jnp.log(jnp.sum(e, axis=1, keepdims=True))
    out_ref[...] = logits - m - lse


_node_spec = pl.BlockSpec((_BLK, _HID), lambda i: (i, 0))
_pair_spec = pl.BlockSpec((2, _BLK, _HID), lambda i: (0, i, 0))
_f32 = jnp.float32


def _phase_a(x, w1, dega):
    return pl.pallas_call(
        _phase_a_body,
        grid=(_GRID,),
        in_specs=[
            pl.BlockSpec((_BLK, _F_IN), lambda i: (i, 0)),
            pl.BlockSpec((_F_IN, _HID), lambda i: (0, 0)),
            _pair_spec,
        ],
        out_specs=_node_spec,
        out_shape=jax.ShapeDtypeStruct((_NPAD, _HID), _f32),
    )(x, w1, dega)


def _phase_b(agg1, hs1, dega, w2p, b1r):
    return pl.pallas_call(
        _phase_b_body,
        grid=(_GRID,),
        in_specs=[
            _pair_spec,
            _node_spec,
            _pair_spec,
            pl.BlockSpec((_HID, _HID), lambda i: (0, 0)),
            pl.BlockSpec((1, _HID), lambda i: (0, 0)),
        ],
        out_specs=_node_spec,
        out_shape=jax.ShapeDtypeStruct((_NPAD, _HID), _f32),
    )(agg1, hs1, dega, w2p, b1r)


def _phase_c(agg2, hs2, dega, b2r):
    return pl.pallas_call(
        _phase_c_body,
        grid=(_GRID,),
        in_specs=[
            _pair_spec,
            _node_spec,
            _pair_spec,
            pl.BlockSpec((1, _HID), lambda i: (0, 0)),
        ],
        out_specs=_node_spec,
        out_shape=jax.ShapeDtypeStruct((_NPAD, _HID), _f32),
    )(agg2, hs2, dega, b2r)


def kernel(x, edge_index, W1, b1, W2, b2):
    pad = _EPAD - _E
    pad_idx = _N + (jnp.arange(pad, dtype=jnp.int32) % (_NPAD - _N))
    src_p = jnp.concatenate([edge_index[0], pad_idx]).reshape(_NW, _CHUNKS, _CW)
    dst_p = jnp.concatenate([edge_index[1], pad_idx]).reshape(_NW, _CHUNKS, _CW)
    w2p = jnp.pad(W2, ((0, 0), (0, _HID - _NC)))
    b1r = b1.reshape(1, _HID)
    b2r = jnp.pad(b2, (0, _HID - _NC)).reshape(1, _HID)
    zeros_sub = jnp.zeros((_RPS, _HID), _f32)
    ones_cw = jnp.ones((_CW, _HID), _f32)

    dega = _deg_kernel(dst_p, zeros_sub, ones_cw)
    hs1 = _phase_a(x, W1, dega)
    agg1 = _agg_kernel(hs1, src_p, dst_p, zeros_sub)
    hs2 = _phase_b(agg1, hs1, dega, w2p, b1r)
    agg2 = _agg_kernel(hs2, src_p, dst_p, zeros_sub)
    out = _phase_c(agg2, hs2, dega, b2r)
    return out[:_N, :_NC]

# --- scband reference (transcript-rebuilt; emitter-appended) ---
"""Pipeline reference for scband-net-64544768525120 (READ-ONLY COPY).

The authoritative reference and input builder live on the scoring server;
editing this copy changes nothing except your own understanding.
"""

import jax, jax.numpy as jnp
import numpy as np

N = 10000
E = 320000
F_IN = 128
HID = 16
NUM_CLASSES = 7


def gcn_conv(x, edge_index, W, b, num_nodes):
    # x' = D^{-1/2} (A + I) D^{-1/2} x W + b  (GCNConv with add_self_loops=True)
    h = x @ W
    src = edge_index[0]
    dst = edge_index[1]
    loop = jnp.arange(num_nodes, dtype=src.dtype)
    src = jnp.concatenate([src, loop])
    dst = jnp.concatenate([dst, loop])
    deg = jnp.zeros((num_nodes,), dtype=h.dtype).at[dst].add(1.0)
    deg_inv_sqrt = jnp.where(deg > 0, jax.lax.rsqrt(deg), 0.0)
    norm = deg_inv_sqrt[src] * deg_inv_sqrt[dst]
    msgs = h[src] * norm[:, None]
    out = jnp.zeros((num_nodes, h.shape[1]), dtype=h.dtype).at[dst].add(msgs)
    return out + b


def setup_inputs(seed: int = 0) -> dict:
    key = jax.random.key(seed)
    k1, k2, k3, k4, k5, k6 = jax.random.split(key, 6)
    x = jax.random.normal(k1, (N, F_IN), dtype=jnp.float32)
    edge_index = jax.random.randint(k2, (2, E), 0, N, dtype=jnp.int32)
    W1 = jax.random.normal(k3, (F_IN, HID), dtype=jnp.float32) * (1.0 / np.sqrt(F_IN))
    b1 = jnp.zeros((HID,), dtype=jnp.float32)
    W2 = jax.random.normal(k4, (HID, NUM_CLASSES), dtype=jnp.float32) * (1.0 / np.sqrt(HID))
    b2 = jnp.zeros((NUM_CLASSES,), dtype=jnp.float32)
    return {"x": x, "edge_index": edge_index, "W1": W1, "b1": b1, "W2": W2, "b2": b2}


def reference(x, edge_index, W1, b1, W2, b2):
    h = gcn_conv(x, edge_index, W1, b1, N)
    h = jax.nn.relu(h)
    # F.dropout(training=self.training) -> identity in eval mode
    out = gcn_conv(h, edge_index, W2, b2, N)
    return jax.nn.log_softmax(out, axis=1)

if __name__ == "__main__":
    import jax
    _d = setup_inputs()
    print(jax.jit(kernel)(*tuple(_d.values())))

</pallas_src>

<mosaic_0001>
#map = affine_map<(d0, d1) -> (0, 0, 0)>
#map1 = affine_map<(d0, d1) -> (0, 0)>
module attributes {stable_mosaic.version = 14 : i64} {
  func.func @_deg_kernel(%arg0: i32, %arg1: i32, %arg2: memref<32x10x1024xi32, #tpu.memory_space<hbm>>, %arg3: memref<640x16xf32, #tpu.memory_space<hbm>>, %arg4: memref<1024x16xf32, #tpu.memory_space<hbm>>, %arg5: memref<2x10240x16xf32, #tpu.memory_space<hbm>>, %arg6: memref<10x1024xi32, #tpu.memory_space<vmem>>, %arg7: memref<1024x16xf32, #tpu.memory_space<vmem>>, %arg8: memref<10240x16xf32, #tpu.memory_space<vmem_shared>>, %arg9: memref<!tpu.dma_semaphore, #tpu.memory_space<semaphore_mem>>, %arg10: memref<!tpu.dma_semaphore, #tpu.memory_space<semaphore_mem>>, %arg11: memref<!tpu.dma_semaphore, #tpu.memory_space<semaphore_mem>>) attributes {dimension_semantics = [#tpu.dimension_semantics<core_parallel>, #tpu.dimension_semantics<subcore_parallel>], iteration_bounds = array<i64: 2, 16>, scalar_prefetch = 0 : i64, scratch_operands = 6 : i64, tpu.core_type = #tpu.core_type<sc_vector_subcore>, window_params = [{transform_indices = #map}, {transform_indices = #map1}, {transform_indices = #map1}, {transform_indices = #map}]} {
    %mul3A = arith.constant 16 : i32
    %mul3A_0 = arith.muli %arg0, %mul3A : i32
    %add3A = arith.addi %mul3A_0, %arg1 : i32
    %mul3A_1 = arith.constant 640 : i32
    %mul3A_2 = arith.muli %arg1, %mul3A_1 : i32
    %dma_start3A = arith.constant 0 : i32
    %dma_start3A_3 = tpu.memref_slice %arg8[%mul3A_2, %dma_start3A] : memref<10240x16xf32, #tpu.memory_space<vmem_shared>> -> memref<640x16xf32, #tpu.memory_space<vmem_shared>>
    tpu.enqueue_dma source(%arg3 : memref<640x16xf32, #tpu.memory_space<hbm>>) target(%dma_start3A_3 : memref<640x16xf32, #tpu.memory_space<vmem_shared>>) target_semaphore(%arg9 : memref<!tpu.dma_semaphore, #tpu.memory_space<semaphore_mem>>)
    tpu.enqueue_dma source(%arg4 : memref<1024x16xf32, #tpu.memory_space<hbm>>) target(%arg7 : memref<1024x16xf32, #tpu.memory_space<vmem>>) target_semaphore(%arg10 : memref<!tpu.dma_semaphore, #tpu.memory_space<semaphore_mem>>)
    %dma_start3A_4 = arith.constant 0 : i32
    %dma_start3A_5 = arith.constant 0 : i32
    %dma_start3A_6 = tpu.memref_slice %arg2[%add3A, %dma_start3A_4, %dma_start3A_5] : memref<32x10x1024xi32, #tpu.memory_space<hbm>> -> memref<1x10x1024xi32, #tpu.memory_space<hbm>>
    %dma_start3A_7 = tpu.memref_squeeze %dma_start3A_6 : memref<1x10x1024xi32, #tpu.memory_space<hbm>> -> memref<10x1024xi32, #tpu.memory_space<hbm>>
    %dma_start3A_8 = arith.constant 0 : i32
    %dma_start3A_9 = arith.constant 0 : i32
    %dma_start3A_10 = tpu.memref_slice %arg2[%add3A, %dma_start3A_8, %dma_start3A_9] : memref<32x10x1024xi32, #tpu.memory_space<hbm>> -> memref<1x10x1024xi32, #tpu.memory_space<hbm>>
    %dma_start3A_11 = tpu.memref_squeeze %dma_start3A_10 : memref<1x10x1024xi32, #tpu.memory_space<hbm>> -> memref<10x1024xi32, #tpu.memory_space<hbm>>
    tpu.enqueue_dma source(%dma_start3A_11 : memref<10x1024xi32, #tpu.memory_space<hbm>>) target(%arg6 : memref<10x1024xi32, #tpu.memory_space<vmem>>) target_semaphore(%arg11 : memref<!tpu.dma_semaphore, #tpu.memory_space<semaphore_mem>>)
    %dma_wait3A = arith.constant 0 : i32
    %dma_wait3A_12 = tpu.memref_slice %arg8[%mul3A_2, %dma_wait3A] : memref<10240x16xf32, #tpu.memory_space<vmem_shared>> -> memref<640x16xf32, #tpu.memory_space<vmem_shared>>
    tpu.wait_dma2 semaphore(%arg9 : memref<!tpu.dma_semaphore, #tpu.memory_space<semaphore_mem>>) src(%arg3 : memref<640x16xf32, #tpu.memory_space<hbm>>) dst(%dma_wait3A_12 : memref<640x16xf32, #tpu.memory_space<vmem_shared>>)
    tpu.wait_dma2 semaphore(%arg10 : memref<!tpu.dma_semaphore, #tpu.memory_space<semaphore_mem>>) src(%arg4 : memref<1024x16xf32, #tpu.memory_space<hbm>>) dst(%arg7 : memref<1024x16xf32, #tpu.memory_space<vmem>>)
    %dma_wait3A_13 = arith.constant 0 : i32
    %dma_wait3A_14 = arith.constant 0 : i32
    %dma_wait3A_15 = tpu.memref_slice %arg2[%add3A, %dma_wait3A_13, %dma_wait3A_14] : memref<32x10x1024xi32, #tpu.memory_space<hbm>> -> memref<1x10x1024xi32, #tpu.memory_space<hbm>>
    %dma_wait3A_16 = tpu.memref_squeeze %dma_wait3A_15 : memref<1x10x1024xi32, #tpu.memory_space<hbm>> -> memref<10x1024xi32, #tpu.memory_space<hbm>>
    %dma_wait3A_17 = arith.constant 0 : i32
    %dma_wait3A_18 = arith.constant 0 : i32
    %dma_wait3A_19 = tpu.memref_slice %arg2[%add3A, %dma_wait3A_17, %dma_wait3A_18] : memref<32x10x1024xi32, #tpu.memory_space<hbm>> -> memref<1x10x1024xi32, #tpu.memory_space<hbm>>
    %dma_wait3A_20 = tpu.memref_squeeze %dma_wait3A_19 : memref<1x10x1024xi32, #tpu.memory_space<hbm>> -> memref<10x1024xi32, #tpu.memory_space<hbm>>
    tpu.wait_dma2 semaphore(%arg11 : memref<!tpu.dma_semaphore, #tpu.memory_space<semaphore_mem>>) src(%dma_wait3A_20 : memref<10x1024xi32, #tpu.memory_space<hbm>>) dst(%arg6 : memref<10x1024xi32, #tpu.memory_space<vmem>>)
    %barrier3A = arith.constant 0 : index
    tpu.barrier barrier_id(%barrier3A)
    %dma_start3A_21 = arith.constant 0 : i32
    %dma_start3A_22 = arith.constant 0 : i32
    %dma_start3A_23 = tpu.memref_slice %arg6[%dma_start3A_21, %dma_start3A_22] : memref<10x1024xi32, #tpu.memory_space<vmem>> -> memref<1x1024xi32, #tpu.memory_space<vmem>>
    %dma_start3A_24 = tpu.memref_squeeze %dma_start3A_23 : memref<1x1024xi32, #tpu.memory_space<vmem>> -> memref<1024xi32, #tpu.memory_space<vmem>>
    %dma_start3A_25 = arith.constant 0 : i32
    %dma_start3A_26 = arith.constant 0 : i32
    %dma_start3A_27 = tpu.memref_slice %arg8[%dma_start3A_25, %dma_start3A_26] : memref<10240x16xf32, #tpu.memory_space<vmem_shared>> -> memref<10240x16xf32, #tpu.memory_space<vmem_shared>>
    tpu.enqueue_indirect_dma source(%arg7 : memref<1024x16xf32, #tpu.memory_space<vmem>>) target(%dma_start3A_27 : memref<10240x16xf32, #tpu.memory_space<vmem_shared>>) offsets(%dma_start3A_24 : memref<1024xi32, #tpu.memory_space<vmem>>) semaphore(%arg9 : memref<!tpu.dma_semaphore, #tpu.memory_space<semaphore_mem>>) {add = true}
    %dma_start3A_28 = arith.constant 1 : i32
    %dma_start3A_29 = arith.constant 0 : i32
    %dma_start3A_30 = tpu.memref_slice %arg6[%dma_start3A_28, %dma_start3A_29] : memref<10x1024xi32, #tpu.memory_space<vmem>> -> memref<1x1024xi32, #tpu.memory_space<vmem>>
    %dma_start3A_31 = tpu.memref_squeeze %dma_start3A_30 : memref<1x1024xi32, #tpu.memory_space<vmem>> -> memref<1024xi32, #tpu.memory_space<vmem>>
    %dma_start3A_32 = arith.constant 0 : i32
    %dma_start3A_33 = arith.constant 0 : i32
    %dma_start3A_34 = tpu.memref_slice %arg8[%dma_start3A_32, %dma_start3A_33] : memref<10240x16xf32, #tpu.memory_space<vmem_shared>> -> memref<10240x16xf32, #tpu.memory_space<vmem_shared>>
    tpu.enqueue_indirect_dma source(%arg7 : memref<1024x16xf32, #tpu.memory_space<vmem>>) target(%dma_start3A_34 : memref<10240x16xf32, #tpu.memory_space<vmem_shared>>) offsets(%dma_start3A_31 : memref<1024xi32, #tpu.memory_space<vmem>>) semaphore(%arg10 : memref<!tpu.dma_semaphore, #tpu.memory_space<semaphore_mem>>) {add = true}
    %scan3A = arith.constant 0 : i32
    %scan3A_35 = arith.constant 0 : i32
    %scan3A_36 = arith.constant 4 : i32
    %scan3A_37 = arith.addi %scan3A_35, %scan3A_36 : i32
    %scan3A_38 = arith.constant 1 : i32
    scf.for %scan3A_59 = %scan3A_35 to %scan3A_37 step %scan3A_38  : i32 {
      %mul3A_60 = arith.constant 2 : i32
      %mul3A_61 = arith.muli %mul3A_60, %scan3A_59 : i32
      %add3A_62 = arith.constant 0 : i32
      %add3A_63 = arith.addi %mul3A_61, %add3A_62 : i32
      %dma_wait3A_64 = arith.constant 0 : i32
      %dma_wait3A_65 = tpu.memref_slice %arg6[%add3A_63, %dma_wait3A_64] : memref<10x1024xi32, #tpu.memory_space<vmem>> -> memref<1x1024xi32, #tpu.memory_space<vmem>>
      %dma_wait3A_66 = tpu.memref_squeeze %dma_wait3A_65 : memref<1x1024xi32, #tpu.memory_space<vmem>> -> memref<1024xi32, #tpu.memory_space<vmem>>
      %dma_wait3A_67 = arith.constant 0 : i32
      %dma_wait3A_68 = arith.constant 0 : i32
      %dma_wait3A_69 = tpu.memref_slice %arg8[%dma_wait3A_67, %dma_wait3A_68] : memref<10240x16xf32, #tpu.memory_space<vmem_shared>> -> memref<10240x16xf32, #tpu.memory_space<vmem_shared>>
      tpu.wait_indirect_dma semaphore(%arg9 : memref<!tpu.dma_semaphore, #tpu.memory_space<semaphore_mem>>) src(%arg7 : memref<1024x16xf32, #tpu.memory_space<vmem>>) dst(%dma_wait3A_69 : memref<10240x16xf32, #tpu.memory_space<vmem_shared>>)
      %add3A_70 = arith.constant 2 : i32
      %add3A_71 = arith.addi %mul3A_61, %add3A_70 : i32
      %add3A_72 = arith.constant 0 : i32
      %add3A_73 = arith.addi %add3A_71, %add3A_72 : i32
      %dma_start3A_74 = arith.constant 0 : i32
      %dma_start3A_75 = tpu.memref_slice %arg6[%add3A_73, %dma_start3A_74] : memref<10x1024xi32, #tpu.memory_space<vmem>> -> memref<1x1024xi32, #tpu.memory_space<vmem>>
      %dma_start3A_76 = tpu.memref_squeeze %dma_start3A_75 : memref<1x1024xi32, #tpu.memory_space<vmem>> -> memref<1024xi32, #tpu.memory_space<vmem>>
      %dma_start3A_77 = arith.constant 0 : i32
      %dma_start3A_78 = arith.constant 0 : i32
      %dma_start3A_79 = tpu.memref_slice %arg8[%dma_start3A_77, %dma_start3A_78] : memref<10240x16xf32, #tpu.memory_space<vmem_shared>> -> memref<10240x16xf32, #tpu.memory_space<vmem_shared>>
      tpu.enqueue_indirect_dma source(%arg7 : memref<1024x16xf32, #tpu.memory_space<vmem>>) target(%dma_start3A_79 : memref<10240x16xf32, #tpu.memory_space<vmem_shared>>) offsets(%dma_start3A_76 : memref<1024xi32, #tpu.memory_space<vmem>>) semaphore(%arg9 : memref<!tpu.dma_semaphore, #tpu.memory_space<semaphore_mem>>) {add = true}
      %add3A_80 = arith.constant 1 : i32
      %add3A_81 = arith.addi %mul3A_61, %add3A_80 : i32
      %dma_wait3A_82 = arith.constant 0 : i32
      %dma_wait3A_83 = tpu.memref_slice %arg6[%add3A_81, %dma_wait3A_82] : memref<10x1024xi32, #tpu.memory_space<vmem>> -> memref<1x1024xi32, #tpu.memory_space<vmem>>
      %dma_wait3A_84 = tpu.memref_squeeze %dma_wait3A_83 : memref<1x1024xi32, #tpu.memory_space<vmem>> -> memref<1024xi32, #tpu.memory_space<vmem>>
      %dma_wait3A_85 = arith.constant 0 : i32
      %dma_wait3A_86 = arith.constant 0 : i32
      %dma_wait3A_87 = tpu.memref_slice %arg8[%dma_wait3A_85, %dma_wait3A_86] : memref<10240x16xf32, #tpu.memory_space<vmem_shared>> -> memref<10240x16xf32, #tpu.memory_space<vmem_shared>>
      tpu.wait_indirect_dma semaphore(%arg10 : memref<!tpu.dma_semaphore, #tpu.memory_space<semaphore_mem>>) src(%arg7 : memref<1024x16xf32, #tpu.memory_space<vmem>>) dst(%dma_wait3A_87 : memref<10240x16xf32, #tpu.memory_space<vmem_shared>>)
      %add3A_88 = arith.constant 2 : i32
      %add3A_89 = arith.addi %mul3A_61, %add3A_88 : i32
      %add3A_90 = arith.constant 1 : i32
      %add3A_91 = arith.addi %add3A_89, %add3A_90 : i32
      %dma_start3A_92 = arith.constant 0 : i32
      %dma_start3A_93 = tpu.memref_slice %arg6[%add3A_91, %dma_start3A_92] : memref<10x1024xi32, #tpu.memory_space<vmem>> -> memref<1x1024xi32, #tpu.memory_space<vmem>>
      %dma_start3A_94 = tpu.memref_squeeze %dma_start3A_93 : memref<1x1024xi32, #tpu.memory_space<vmem>> -> memref<1024xi32, #tpu.memory_space<vmem>>
      %dma_start3A_95 = arith.constant 0 : i32
      %dma_start3A_96 = arith.constant 0 : i32
      %dma_start3A_97 = tpu.memref_slice %arg8[%dma_start3A_95, %dma_start3A_96] : memref<10240x16xf32, #tpu.memory_space<vmem_shared>> -> memref<10240x16xf32, #tpu.memory_space<vmem_shared>>
      tpu.enqueue_indirect_dma source(%arg7 : memref<1024x16xf32, #tpu.memory_space<vmem>>) target(%dma_start3A_97 : memref<10240x16xf32, #tpu.memory_space<vmem_shared>>) offsets(%dma_start3A_94 : memref<1024xi32, #tpu.memory_space<vmem>>) semaphore(%arg10 : memref<!tpu.dma_semaphore, #tpu.memory_space<semaphore_mem>>) {add = true}
    }
    %scan3A_39 = arith.constant 4 : i32
    %dma_wait3A_40 = arith.constant 8 : i32
    %dma_wait3A_41 = arith.constant 0 : i32
    %dma_wait3A_42 = tpu.memref_slice %arg6[%dma_wait3A_40, %dma_wait3A_41] : memref<10x1024xi32, #tpu.memory_space<vmem>> -> memref<1x1024xi32, #tpu.memory_space<vmem>>
    %dma_wait3A_43 = tpu.memref_squeeze %dma_wait3A_42 : memref<1x1024xi32, #tpu.memory_space<vmem>> -> memref<1024xi32, #tpu.memory_space<vmem>>
    %dma_wait3A_44 = arith.constant 0 : i32
    %dma_wait3A_45 = arith.constant 0 : i32
    %dma_wait3A_46 = tpu.memref_slice %arg8[%dma_wait3A_44, %dma_wait3A_45] : memref<10240x16xf32, #tpu.memory_space<vmem_shared>> -> memref<10240x16xf32, #tpu.memory_space<vmem_shared>>
    tpu.wait_indirect_dma semaphore(%arg9 : memref<!tpu.dma_semaphore, #tpu.memory_space<semaphore_mem>>) src(%arg7 : memref<1024x16xf32, #tpu.memory_space<vmem>>) dst(%dma_wait3A_46 : memref<10240x16xf32, #tpu.memory_space<vmem_shared>>)
    %dma_wait3A_47 = arith.constant 9 : i32
    %dma_wait3A_48 = arith.constant 0 : i32
    %dma_wait3A_49 = tpu.memref_slice %arg6[%dma_wait3A_47, %dma_wait3A_48] : memref<10x1024xi32, #tpu.memory_space<vmem>> -> memref<1x1024xi32, #tpu.memory_space<vmem>>
    %dma_wait3A_50 = tpu.memref_squeeze %dma_wait3A_49 : memref<1x1024xi32, #tpu.memory_space<vmem>> -> memref<1024xi32, #tpu.memory_space<vmem>>
    %dma_wait3A_51 = arith.constant 0 : i32
    %dma_wait3A_52 = arith.constant 0 : i32
    %dma_wait3A_53 = tpu.memref_slice %arg8[%dma_wait3A_51, %dma_wait3A_52] : memref<10240x16xf32, #tpu.memory_space<vmem_shared>> -> memref<10240x16xf32, #tpu.memory_space<vmem_shared>>
    tpu.wait_indirect_dma semaphore(%arg10 : memref<!tpu.dma_semaphore, #tpu.memory_space<semaphore_mem>>) src(%arg7 : memref<1024x16xf32, #tpu.memory_space<vmem>>) dst(%dma_wait3A_53 : memref<10240x16xf32, #tpu.memory_space<vmem_shared>>)
    %barrier3A_54 = arith.constant 0 : index
    tpu.barrier barrier_id(%barrier3A_54)
    %mul3A_55 = arith.constant 640 : i32
    %mul3A_56 = arith.muli %arg1, %mul3A_55 : i32
    %mul3A_57 = arith.constant 640 : i32
    %mul3A_58 = arith.muli %arg1, %mul3A_57 : i32
    "tpu.region"() ({
      %run_scoped3A = tpu.sem_alloc : memref<!tpu.dma_semaphore, #tpu.memory_space<semaphore_mem>>
      %dma_start3A_59 = arith.constant 0 : i32
      %dma_start3A_60 = tpu.memref_slice %arg5[%arg0, %mul3A_58, %dma_start3A_59] : memref<2x10240x16xf32, #tpu.memory_space<hbm>> -> memref<1x640x16xf32, #tpu.memory_space<hbm>>
      %dma_start3A_61 = tpu.memref_squeeze %dma_start3A_60 : memref<1x640x16xf32, #tpu.memory_space<hbm>> -> memref<640x16xf32, #tpu.memory_space<hbm>>
      %dma_start3A_62 = arith.constant 0 : i32
      %dma_start3A_63 = tpu.memref_slice %arg8[%mul3A_56, %dma_start3A_62] : memref<10240x16xf32, #tpu.memory_space<vmem_shared>> -> memref<640x16xf32, #tpu.memory_space<vmem_shared>>
      tpu.enqueue_dma source(%dma_start3A_63 : memref<640x16xf32, #tpu.memory_space<vmem_shared>>) target(%dma_start3A_61 : memref<640x16xf32, #tpu.memory_space<hbm>>) target_semaphore(%run_scoped3A : memref<!tpu.dma_semaphore, #tpu.memory_space<semaphore_mem>>)
      %dma_wait3A_64 = arith.constant 0 : i32
      %dma_wait3A_65 = tpu.memref_slice %arg5[%arg0, %mul3A_58, %dma_wait3A_64] : memref<2x10240x16xf32, #tpu.memory_space<hbm>> -> memref<1x640x16xf32, #tpu.memory_space<hbm>>
      %dma_wait3A_66 = tpu.memref_squeeze %dma_wait3A_65 : memref<1x640x16xf32, #tpu.memory_space<hbm>> -> memref<640x16xf32, #tpu.memory_space<hbm>>
      %dma_wait3A_67 = arith.constant 0 : i32
      %dma_wait3A_68 = tpu.memref_slice %arg8[%mul3A_56, %dma_wait3A_67] : memref<10240x16xf32, #tpu.memory_space<vmem_shared>> -> memref<640x16xf32, #tpu.memory_space<vmem_shared>>
      tpu.wait_dma2 semaphore(%run_scoped3A : memref<!tpu.dma_semaphore, #tpu.memory_space<semaphore_mem>>) src(%dma_wait3A_68 : memref<640x16xf32, #tpu.memory_space<vmem_shared>>) dst(%dma_wait3A_66 : memref<640x16xf32, #tpu.memory_space<hbm>>)
      tpu.yield
    }) : () -> ()
    return
  }
}

#map = affine_map<(d0, d1) -> (0, 0)>
#map1 = affine_map<(d0, d1) -> (0, 0, 0)>
module attributes {stable_mosaic.version = 14 : i64} {
  func.func @_agg_kernel(%arg0: i32, %arg1: i32, %arg2: memref<10240x16xf32, #tpu.memory_space<hbm>>, %arg3: memref<32x10x1024xi32, #tpu.memory_space<hbm>>, %arg4: memref<32x10x1024xi32, #tpu.memory_space<hbm>>, %arg5: memref<640x16xf32, #tpu.memory_space<hbm>>, %arg6: memref<2x10240x16xf32, #tpu.memory_space<hbm>>, %arg7: memref<10x1024xi32, #tpu.memory_space<vmem>>, %arg8: memref<10x1024xi32, #tpu.memory_space<vmem>>, %arg9: memref<1024x16xf32, #tpu.memory_space<vmem>>, %arg10: memref<1024x16xf32, #tpu.memory_space<vmem>>, %arg11: memref<10240x16xf32, #tpu.memory_space<vmem_shared>>, %arg12: memref<!tpu.dma_semaphore, #tpu.memory_space<semaphore_mem>>, %arg13: memref<!tpu.dma_semaphore, #tpu.memory_space<semaphore_mem>>, %arg14: memref<!tpu.dma_semaphore, #tpu.memory_space<semaphore_mem>>, %arg15: memref<!tpu.dma_semaphore, #tpu.memory_space<semaphore_mem>>) attributes {dimension_semantics = [#tpu.dimension_semantics<core_parallel>, #tpu.dimension_semantics<subcore_parallel>], iteration_bounds = array<i64: 2, 16>, scalar_prefetch = 0 : i64, scratch_operands = 9 : i64, tpu.core_type = #tpu.core_type<sc_vector_subcore>, window_params = [{transform_indices = #map}, {transform_indices = #map1}, {transform_indices = #map1}, {transform_indices = #map}, {transform_indices = #map1}]} {
    %mul3A = arith.constant 16 : i32
    %mul3A_0 = arith.muli %arg0, %mul3A : i32
    %add3A = arith.addi %mul3A_0, %arg1 : i32
    %mul3A_1 = arith.constant 640 : i32
    %mul3A_2 = arith.muli %arg1, %mul3A_1 : i32
    %dma_start3A = arith.constant 0 : i32
    %dma_start3A_3 = tpu.memref_slice %arg11[%mul3A_2, %dma_start3A] : memref<10240x16xf32, #tpu.memory_space<vmem_shared>> -> memref<640x16xf32, #tpu.memory_space<vmem_shared>>
    tpu.enqueue_dma source(%arg5 : memref<640x16xf32, #tpu.memory_space<hbm>>) target(%dma_start3A_3 : memref<640x16xf32, #tpu.memory_space<vmem_shared>>) target_semaphore(%arg12 : memref<!tpu.dma_semaphore, #tpu.memory_space<semaphore_mem>>)
    %dma_start3A_4 = arith.constant 0 : i32
    %dma_start3A_5 = arith.constant 0 : i32
    %dma_start3A_6 = tpu.memref_slice %arg3[%add3A, %dma_start3A_4, %dma_start3A_5] : memref<32x10x1024xi32, #tpu.memory_space<hbm>> -> memref<1x10x1024xi32, #tpu.memory_space<hbm>>
    %dma_start3A_7 = tpu.memref_squeeze %dma_start3A_6 : memref<1x10x1024xi32, #tpu.memory_space<hbm>> -> memref<10x1024xi32, #tpu.memory_space<hbm>>
    %dma_start3A_8 = arith.constant 0 : i32
    %dma_start3A_9 = arith.constant 0 : i32
    %dma_start3A_10 = tpu.memref_slice %arg3[%add3A, %dma_start3A_8, %dma_start3A_9] : memref<32x10x1024xi32, #tpu.memory_space<hbm>> -> memref<1x10x1024xi32, #tpu.memory_space<hbm>>
    %dma_start3A_11 = tpu.memref_squeeze %dma_start3A_10 : memref<1x10x1024xi32, #tpu.memory_space<hbm>> -> memref<10x1024xi32, #tpu.memory_space<hbm>>
    tpu.enqueue_dma source(%dma_start3A_11 : memref<10x1024xi32, #tpu.memory_space<hbm>>) target(%arg7 : memref<10x1024xi32, #tpu.memory_space<vmem>>) target_semaphore(%arg13 : memref<!tpu.dma_semaphore, #tpu.memory_space<semaphore_mem>>)
    %dma_start3A_12 = arith.constant 0 : i32
    %dma_start3A_13 = arith.constant 0 : i32
    %dma_start3A_14 = tpu.memref_slice %arg4[%add3A, %dma_start3A_12, %dma_start3A_13] : memref<32x10x1024xi32, #tpu.memory_space<hbm>> -> memref<1x10x1024xi32, #tpu.memory_space<hbm>>
    %dma_start3A_15 = tpu.memref_squeeze %dma_start3A_14 : memref<1x10x1024xi32, #tpu.memory_space<hbm>> -> memref<10x1024xi32, #tpu.memory_space<hbm>>
    %dma_start3A_16 = arith.constant 0 : i32
    %dma_start3A_17 = arith.constant 0 : i32
    %dma_start3A_18 = tpu.memref_slice %arg4[%add3A, %dma_start3A_16, %dma_start3A_17] : memref<32x10x1024xi32, #tpu.memory_space<hbm>> -> memref<1x10x1024xi32, #tpu.memory_space<hbm>>
    %dma_start3A_19 = tpu.memref_squeeze %dma_start3A_18 : memref<1x10x1024xi32, #tpu.memory_space<hbm>> -> memref<10x1024xi32, #tpu.memory_space<hbm>>
    tpu.enqueue_dma source(%dma_start3A_19 : memref<10x1024xi32, #tpu.memory_space<hbm>>) target(%arg8 : memref<10x1024xi32, #tpu.memory_space<vmem>>) target_semaphore(%arg14 : memref<!tpu.dma_semaphore, #tpu.memory_space<semaphore_mem>>)
    %dma_wait3A = arith.constant 0 : i32
    %dma_wait3A_20 = tpu.memref_slice %arg11[%mul3A_2, %dma_wait3A] : memref<10240x16xf32, #tpu.memory_space<vmem_shared>> -> memref<640x16xf32, #tpu.memory_space<vmem_shared>>
    tpu.wait_dma2 semaphore(%arg12 : memref<!tpu.dma_semaphore, #tpu.memory_space<semaphore_mem>>) src(%arg5 : memref<640x16xf32, #tpu.memory_space<hbm>>) dst(%dma_wait3A_20 : memref<640x16xf32, #tpu.memory_space<vmem_shared>>)
    %dma_wait3A_21 = arith.constant 0 : i32
    %dma_wait3A_22 = arith.constant 0 : i32
    %dma_wait3A_23 = tpu.memref_slice %arg3[%add3A, %dma_wait3A_21, %dma_wait3A_22] : memref<32x10x1024xi32, #tpu.memory_space<hbm>> -> memref<1x10x1024xi32, #tpu.memory_space<hbm>>
    %dma_wait3A_24 = tpu.memref_squeeze %dma_wait3A_23 : memref<1x10x1024xi32, #tpu.memory_space<hbm>> -> memref<10x1024xi32, #tpu.memory_space<hbm>>
    %dma_wait3A_25 = arith.constant 0 : i32
    %dma_wait3A_26 = arith.constant 0 : i32
    %dma_wait3A_27 = tpu.memref_slice %arg3[%add3A, %dma_wait3A_25, %dma_wait3A_26] : memref<32x10x1024xi32, #tpu.memory_space<hbm>> -> memref<1x10x1024xi32, #tpu.memory_space<hbm>>
    %dma_wait3A_28 = tpu.memref_squeeze %dma_wait3A_27 : memref<1x10x1024xi32, #tpu.memory_space<hbm>> -> memref<10x1024xi32, #tpu.memory_space<hbm>>
    tpu.wait_dma2 semaphore(%arg13 : memref<!tpu.dma_semaphore, #tpu.memory_space<semaphore_mem>>) src(%dma_wait3A_28 : memref<10x1024xi32, #tpu.memory_space<hbm>>) dst(%arg7 : memref<10x1024xi32, #tpu.memory_space<vmem>>)
    %dma_wait3A_29 = arith.constant 0 : i32
    %dma_wait3A_30 = arith.constant 0 : i32
    %dma_wait3A_31 = tpu.memref_slice %arg4[%add3A, %dma_wait3A_29, %dma_wait3A_30] : memref<32x10x1024xi32, #tpu.memory_space<hbm>> -> memref<1x10x1024xi32, #tpu.memory_space<hbm>>
    %dma_wait3A_32 = tpu.memref_squeeze %dma_wait3A_31 : memref<1x10x1024xi32, #tpu.memory_space<hbm>> -> memref<10x1024xi32, #tpu.memory_space<hbm>>
    %dma_wait3A_33 = arith.constant 0 : i32
    %dma_wait3A_34 = arith.constant 0 : i32
    %dma_wait3A_35 = tpu.memref_slice %arg4[%add3A, %dma_wait3A_33, %dma_wait3A_34] : memref<32x10x1024xi32, #tpu.memory_space<hbm>> -> memref<1x10x1024xi32, #tpu.memory_space<hbm>>
    %dma_wait3A_36 = tpu.memref_squeeze %dma_wait3A_35 : memref<1x10x1024xi32, #tpu.memory_space<hbm>> -> memref<10x1024xi32, #tpu.memory_space<hbm>>
    tpu.wait_dma2 semaphore(%arg14 : memref<!tpu.dma_semaphore, #tpu.memory_space<semaphore_mem>>) src(%dma_wait3A_36 : memref<10x1024xi32, #tpu.memory_space<hbm>>) dst(%arg8 : memref<10x1024xi32, #tpu.memory_space<vmem>>)
    %barrier3A = arith.constant 0 : index
    tpu.barrier barrier_id(%barrier3A)
    %dma_start3A_37 = arith.constant 0 : i32
    %dma_start3A_38 = arith.constant 0 : i32
    %dma_start3A_39 = tpu.memref_slice %arg7[%dma_start3A_37, %dma_start3A_38] : memref<10x1024xi32, #tpu.memory_space<vmem>> -> memref<1x1024xi32, #tpu.memory_space<vmem>>
    %dma_start3A_40 = tpu.memref_squeeze %dma_start3A_39 : memref<1x1024xi32, #tpu.memory_space<vmem>> -> memref<1024xi32, #tpu.memory_space<vmem>>
    %dma_start3A_41 = arith.constant 0 : i32
    %dma_start3A_42 = arith.constant 0 : i32
    %dma_start3A_43 = tpu.memref_slice %arg2[%dma_start3A_41, %dma_start3A_42] : memref<10240x16xf32, #tpu.memory_space<hbm>> -> memref<10240x16xf32, #tpu.memory_space<hbm>>
    tpu.enqueue_indirect_dma source(%dma_start3A_43 : memref<10240x16xf32, #tpu.memory_space<hbm>>) target(%arg9 : memref<1024x16xf32, #tpu.memory_space<vmem>>) offsets(%dma_start3A_40 : memref<1024xi32, #tpu.memory_space<vmem>>) semaphore(%arg12 : memref<!tpu.dma_semaphore, #tpu.memory_space<semaphore_mem>>)
    %dma_start3A_44 = arith.constant 1 : i32
    %dma_start3A_45 = arith.constant 0 : i32
    %dma_start3A_46 = tpu.memref_slice %arg7[%dma_start3A_44, %dma_start3A_45] : memref<10x1024xi32, #tpu.memory_space<vmem>> -> memref<1x1024xi32, #tpu.memory_space<vmem>>
    %dma_start3A_47 = tpu.memref_squeeze %dma_start3A_46 : memref<1x1024xi32, #tpu.memory_space<vmem>> -> memref<1024xi32, #tpu.memory_space<vmem>>
    %dma_start3A_48 = arith.constant 0 : i32
    %dma_start3A_49 = arith.constant 0 : i32
    %dma_start3A_50 = tpu.memref_slice %arg2[%dma_start3A_48, %dma_start3A_49] : memref<10240x16xf32, #tpu.memory_space<hbm>> -> memref<10240x16xf32, #tpu.memory_space<hbm>>
    tpu.enqueue_indirect_dma source(%dma_start3A_50 : memref<10240x16xf32, #tpu.memory_space<hbm>>) target(%arg10 : memref<1024x16xf32, #tpu.memory_space<vmem>>) offsets(%dma_start3A_47 : memref<1024xi32, #tpu.memory_space<vmem>>) semaphore(%arg13 : memref<!tpu.dma_semaphore, #tpu.memory_space<semaphore_mem>>)
    %scan3A = arith.constant 0 : i32
    %scan3A_51 = arith.constant 0 : i32
    %scan3A_52 = arith.constant 5 : i32
    %scan3A_53 = arith.addi %scan3A_51, %scan3A_52 : i32
    %scan3A_54 = arith.constant 1 : i32
    scf.for %scan3A_75 = %scan3A_51 to %scan3A_53 step %scan3A_54  : i32 {
      %mul3A_76 = arith.constant 2 : i32
      %mul3A_77 = arith.muli %mul3A_76, %scan3A_75 : i32
      %add3A_78 = arith.constant 0 : i32
      %add3A_79 = arith.addi %mul3A_77, %add3A_78 : i32
      %dma_wait3A_80 = arith.constant 0 : i32
      %dma_wait3A_81 = tpu.memref_slice %arg7[%add3A_79, %dma_wait3A_80] : memref<10x1024xi32, #tpu.memory_space<vmem>> -> memref<1x1024xi32, #tpu.memory_space<vmem>>
      %dma_wait3A_82 = tpu.memref_squeeze %dma_wait3A_81 : memref<1x1024xi32, #tpu.memory_space<vmem>> -> memref<1024xi32, #tpu.memory_space<vmem>>
      %dma_wait3A_83 = arith.constant 0 : i32
      %dma_wait3A_84 = arith.constant 0 : i32
      %dma_wait3A_85 = tpu.memref_slice %arg2[%dma_wait3A_83, %dma_wait3A_84] : memref<10240x16xf32, #tpu.memory_space<hbm>> -> memref<10240x16xf32, #tpu.memory_space<hbm>>
      tpu.wait_indirect_dma semaphore(%arg12 : memref<!tpu.dma_semaphore, #tpu.memory_space<semaphore_mem>>) src(%dma_wait3A_85 : memref<10240x16xf32, #tpu.memory_space<hbm>>) dst(%arg9 : memref<1024x16xf32, #tpu.memory_space<vmem>>)
      %add3A_86 = arith.constant 0 : i32
      %add3A_87 = arith.addi %mul3A_77, %add3A_86 : i32
      %dma_start3A_88 = arith.constant 0 : i32
      %dma_start3A_89 = tpu.memref_slice %arg8[%add3A_87, %dma_start3A_88] : memref<10x1024xi32, #tpu.memory_space<vmem>> -> memref<1x1024xi32, #tpu.memory_space<vmem>>
      %dma_start3A_90 = tpu.memref_squeeze %dma_start3A_89 : memref<1x1024xi32, #tpu.memory_space<vmem>> -> memref<1024xi32, #tpu.memory_space<vmem>>
      %dma_start3A_91 = arith.constant 0 : i32
      %dma_start3A_92 = arith.constant 0 : i32
      %dma_start3A_93 = tpu.memref_slice %arg11[%dma_start3A_91, %dma_start3A_92] : memref<10240x16xf32, #tpu.memory_space<vmem_shared>> -> memref<10240x16xf32, #tpu.memory_space<vmem_shared>>
      tpu.enqueue_indirect_dma source(%arg9 : memref<1024x16xf32, #tpu.memory_space<vmem>>) target(%dma_start3A_93 : memref<10240x16xf32, #tpu.memory_space<vmem_shared>>) offsets(%dma_start3A_90 : memref<1024xi32, #tpu.memory_space<vmem>>) semaphore(%arg14 : memref<!tpu.dma_semaphore, #tpu.memory_space<semaphore_mem>>) {add = true}
      %add3A_94 = arith.constant 1 : i32
      %add3A_95 = arith.addi %mul3A_77, %add3A_94 : i32
      %dma_wait3A_96 = arith.constant 0 : i32
      %dma_wait3A_97 = tpu.memref_slice %arg7[%add3A_95, %dma_wait3A_96] : memref<10x1024xi32, #tpu.memory_space<vmem>> -> memref<1x1024xi32, #tpu.memory_space<vmem>>
      %dma_wait3A_98 = tpu.memref_squeeze %dma_wait3A_97 : memref<1x1024xi32, #tpu.memory_space<vmem>> -> memref<1024xi32, #tpu.memory_space<vmem>>
      %dma_wait3A_99 = arith.constant 0 : i32
      %dma_wait3A_100 = arith.constant 0 : i32
      %dma_wait3A_101 = tpu.memref_slice %arg2[%dma_wait3A_99, %dma_wait3A_100] : memref<10240x16xf32, #tpu.memory_space<hbm>> -> memref<10240x16xf32, #tpu.memory_space<hbm>>
      tpu.wait_indirect_dma semaphore(%arg13 : memref<!tpu.dma_semaphore, #tpu.memory_space<semaphore_mem>>) src(%dma_wait3A_101 : memref<10240x16xf32, #tpu.memory_space<hbm>>) dst(%arg10 : memref<1024x16xf32, #tpu.memory_space<vmem>>)
      %add3A_102 = arith.constant 1 : i32
      %add3A_103 = arith.addi %mul3A_77, %add3A_102 : i32
      %dma_start3A_104 = arith.constant 0 : i32
      %dma_start3A_105 = tpu.memref_slice %arg8[%add3A_103, %dma_start3A_104] : memref<10x1024xi32, #tpu.memory_space<vmem>> -> memref<1x1024xi32, #tpu.memory_space<vmem>>
      %dma_start3A_106 = tpu.memref_squeeze %dma_start3A_105 : memref<1x1024xi32, #tpu.memory_space<vmem>> -> memref<1024xi32, #tpu.memory_space<vmem>>
      %dma_start3A_107 = arith.constant 0 : i32
      %dma_start3A_108 = arith.constant 0 : i32
      %dma_start3A_109 = tpu.memref_slice %arg11[%dma_start3A_107, %dma_start3A_108] : memref<10240x16xf32, #tpu.memory_space<vmem_shared>> -> memref<10240x16xf32, #tpu.memory_space<vmem_shared>>
      tpu.enqueue_indirect_dma source(%arg10 : memref<1024x16xf32, #tpu.memory_space<vmem>>) target(%dma_start3A_109 : memref<10240x16xf32, #tpu.memory_space<vmem_shared>>) offsets(%dma_start3A_106 : memref<1024xi32, #tpu.memory_space<vmem>>) semaphore(%arg15 : memref<!tpu.dma_semaphore, #tpu.memory_space<semaphore_mem>>) {add = true}
      %lt3A = arith.constant 4 : i32
      %lt3A_110 = arith.cmpi slt, %scan3A_75, %lt3A : i32
      %convert_element_type3A = arith.extui %lt3A_110 : i1 to i32
      %cond3A = arith.constant 0 : i32
      %cond3A_111 = arith.cmpi ne, %convert_element_type3A, %cond3A : i32
      scf.if %cond3A_111 {
        %add3A_112 = arith.constant 0 : i32
        %add3A_113 = arith.addi %mul3A_77, %add3A_112 : i32
        %dma_wait3A_114 = arith.constant 0 : i32
        %dma_wait3A_115 = tpu.memref_slice %arg8[%add3A_113, %dma_wait3A_114] : memref<10x1024xi32, #tpu.memory_space<vmem>> -> memref<1x1024xi32, #tpu.memory_space<vmem>>
        %dma_wait3A_116 = tpu.memref_squeeze %dma_wait3A_115 : memref<1x1024xi32, #tpu.memory_space<vmem>> -> memref<1024xi32, #tpu.memory_space<vmem>>
        %dma_wait3A_117 = arith.constant 0 : i32
        %dma_wait3A_118 = arith.constant 0 : i32
        %dma_wait3A_119 = tpu.memref_slice %arg11[%dma_wait3A_117, %dma_wait3A_118] : memref<10240x16xf32, #tpu.memory_space<vmem_shared>> -> memref<10240x16xf32, #tpu.memory_space<vmem_shared>>
        tpu.wait_indirect_dma semaphore(%arg14 : memref<!tpu.dma_semaphore, #tpu.memory_space<semaphore_mem>>) src(%arg9 : memref<1024x16xf32, #tpu.memory_space<vmem>>) dst(%dma_wait3A_119 : memref<10240x16xf32, #tpu.memory_space<vmem_shared>>)
        %add3A_120 = arith.constant 2 : i32
        %add3A_121 = arith.addi %mul3A_77, %add3A_120 : i32
        %add3A_122 = arith.constant 0 : i32
        %add3A_123 = arith.addi %add3A_121, %add3A_122 : i32
        %dma_start3A_124 = arith.constant 0 : i32
        %dma_start3A_125 = tpu.memref_slice %arg7[%add3A_123, %dma_start3A_124] : memref<10x1024xi32, #tpu.memory_space<vmem>> -> memref<1x1024xi32, #tpu.memory_space<vmem>>
        %dma_start3A_126 = tpu.memref_squeeze %dma_start3A_125 : memref<1x1024xi32, #tpu.memory_space<vmem>> -> memref<1024xi32, #tpu.memory_space<vmem>>
        %dma_start3A_127 = arith.constant 0 : i32
        %dma_start3A_128 = arith.constant 0 : i32
        %dma_start3A_129 = tpu.memref_slice %arg2[%dma_start3A_127, %dma_start3A_128] : memref<10240x16xf32, #tpu.memory_space<hbm>> -> memref<10240x16xf32, #tpu.memory_space<hbm>>
        tpu.enqueue_indirect_dma source(%dma_start3A_129 : memref<10240x16xf32, #tpu.memory_space<hbm>>) target(%arg9 : memref<1024x16xf32, #tpu.memory_space<vmem>>) offsets(%dma_start3A_126 : memref<1024xi32, #tpu.memory_space<vmem>>) semaphore(%arg12 : memref<!tpu.dma_semaphore, #tpu.memory_space<semaphore_mem>>)
        %add3A_130 = arith.constant 1 : i32
        %add3A_131 = arith.addi %mul3A_77, %add3A_130 : i32
        %dma_wait3A_132 = arith.constant 0 : i32
        %dma_wait3A_133 = tpu.memref_slice %arg8[%add3A_131, %dma_wait3A_132] : memref<10x1024xi32, #tpu.memory_space<vmem>> -> memref<1x1024xi32, #tpu.memory_space<vmem>>
        %dma_wait3A_134 = tpu.memref_squeeze %dma_wait3A_133 : memref<1x1024xi32, #tpu.memory_space<vmem>> -> memref<1024xi32, #tpu.memory_space<vmem>>
        %dma_wait3A_135 = arith.constant 0 : i32
        %dma_wait3A_136 = arith.constant 0 : i32
        %dma_wait3A_137 = tpu.memref_slice %arg11[%dma_wait3A_135, %dma_wait3A_136] : memref<10240x16xf32, #tpu.memory_space<vmem_shared>> -> memref<10240x16xf32, #tpu.memory_space<vmem_shared>>
        tpu.wait_indirect_dma semaphore(%arg15 : memref<!tpu.dma_semaphore, #tpu.memory_space<semaphore_mem>>) src(%arg10 : memref<1024x16xf32, #tpu.memory_space<vmem>>) dst(%dma_wait3A_137 : memref<10240x16xf32, #tpu.memory_space<vmem_shared>>)
        %add3A_138 = arith.constant 2 : i32
        %add3A_139 = arith.addi %mul3A_77, %add3A_138 : i32
        %add3A_140 = arith.constant 1 : i32
        %add3A_141 = arith.addi %add3A_139, %add3A_140 : i32
        %dma_start3A_142 = arith.constant 0 : i32
        %dma_start3A_143 = tpu.memref_slice %arg7[%add3A_141, %dma_start3A_142] : memref<10x1024xi32, #tpu.memory_space<vmem>> -> memref<1x1024xi32, #tpu.memory_space<vmem>>
        %dma_start3A_144 = tpu.memref_squeeze %dma_start3A_143 : memref<1x1024xi32, #tpu.memory_space<vmem>> -> memref<1024xi32, #tpu.memory_space<vmem>>
        %dma_start3A_145 = arith.constant 0 : i32
        %dma_start3A_146 = arith.constant 0 : i32
        %dma_start3A_147 = tpu.memref_slice %arg2[%dma_start3A_145, %dma_start3A_146] : memref<10240x16xf32, #tpu.memory_space<hbm>> -> memref<10240x16xf32, #tpu.memory_space<hbm>>
        tpu.enqueue_indirect_dma source(%dma_start3A_147 : memref<10240x16xf32, #tpu.memory_space<hbm>>) target(%arg10 : memref<1024x16xf32, #tpu.memory_space<vmem>>) offsets(%dma_start3A_144 : memref<1024xi32, #tpu.memory_space<vmem>>) semaphore(%arg13 : memref<!tpu.dma_semaphore, #tpu.memory_space<semaphore_mem>>)
      } else {
      }
    }
    %scan3A_55 = arith.constant 5 : i32
    %dma_wait3A_56 = arith.constant 8 : i32
    %dma_wait3A_57 = arith.constant 0 : i32
    %dma_wait3A_58 = tpu.memref_slice %arg8[%dma_wait3A_56, %dma_wait3A_57] : memref<10x1024xi32, #tpu.memory_space<vmem>> -> memref<1x1024xi32, #tpu.memory_space<vmem>>
    %dma_wait3A_59 = tpu.memref_squeeze %dma_wait3A_58 : memref<1x1024xi32, #tpu.memory_space<vmem>> -> memref<1024xi32, #tpu.memory_space<vmem>>
    %dma_wait3A_60 = arith.constant 0 : i32
    %dma_wait3A_61 = arith.constant 0 : i32
    %dma_wait3A_62 = tpu.memref_slice %arg11[%dma_wait3A_60, %dma_wait3A_61] : memref<10240x16xf32, #tpu.memory_space<vmem_shared>> -> memref<10240x16xf32, #tpu.memory_space<vmem_shared>>
    tpu.wait_indirect_dma semaphore(%arg14 : memref<!tpu.dma_semaphore, #tpu.memory_space<semaphore_mem>>) src(%arg9 : memref<1024x16xf32, #tpu.memory_space<vmem>>) dst(%dma_wait3A_62 : memref<10240x16xf32, #tpu.memory_space<vmem_shared>>)
    %dma_wait3A_63 = arith.constant 9 : i32
    %dma_wait3A_64 = arith.constant 0 : i32
    %dma_wait3A_65 = tpu.memref_slice %arg8[%dma_wait3A_63, %dma_wait3A_64] : memref<10x1024xi32, #tpu.memory_space<vmem>> -> memref<1x1024xi32, #tpu.memory_space<vmem>>
    %dma_wait3A_66 = tpu.memref_squeeze %dma_wait3A_65 : memref<1x1024xi32, #tpu.memory_space<vmem>> -> memref<1024xi32, #tpu.memory_space<vmem>>
    %dma_wait3A_67 = arith.constant 0 : i32
    %dma_wait3A_68 = arith.constant 0 : i32
    %dma_wait3A_69 = tpu.memref_slice %arg11[%dma_wait3A_67, %dma_wait3A_68] : memref<10240x16xf32, #tpu.memory_space<vmem_shared>> -> memref<10240x16xf32, #tpu.memory_space<vmem_shared>>
    tpu.wait_indirect_dma semaphore(%arg15 : memref<!tpu.dma_semaphore, #tpu.memory_space<semaphore_mem>>) src(%arg10 : memref<1024x16xf32, #tpu.memory_space<vmem>>) dst(%dma_wait3A_69 : memref<10240x16xf32, #tpu.memory_space<vmem_shared>>)
    %barrier3A_70 = arith.constant 0 : index
    tpu.barrier barrier_id(%barrier3A_70)
    %mul3A_71 = arith.constant 640 : i32
    %mul3A_72 = arith.muli %arg1, %mul3A_71 : i32
    %mul3A_73 = arith.constant 640 : i32
    %mul3A_74 = arith.muli %arg1, %mul3A_73 : i32
    "tpu.region"() ({
      %run_scoped3A = tpu.sem_alloc : memref<!tpu.dma_semaphore, #tpu.memory_space<semaphore_mem>>
      %dma_start3A_75 = arith.constant 0 : i32
      %dma_start3A_76 = tpu.memref_slice %arg6[%arg0, %mul3A_74, %dma_start3A_75] : memref<2x10240x16xf32, #tpu.memory_space<hbm>> -> memref<1x640x16xf32, #tpu.memory_space<hbm>>
      %dma_start3A_77 = tpu.memref_squeeze %dma_start3A_76 : memref<1x640x16xf32, #tpu.memory_space<hbm>> -> memref<640x16xf32, #tpu.memory_space<hbm>>
      %dma_start3A_78 = arith.constant 0 : i32
      %dma_start3A_79 = tpu.memref_slice %arg11[%mul3A_72, %dma_start3A_78] : memref<10240x16xf32, #tpu.memory_space<vmem_shared>> -> memref<640x16xf32, #tpu.memory_space<vmem_shared>>
      tpu.enqueue_dma source(%dma_start3A_79 : memref<640x16xf32, #tpu.memory_space<vmem_shared>>) target(%dma_start3A_77 : memref<640x16xf32, #tpu.memory_space<hbm>>) target_semaphore(%run_scoped3A : memref<!tpu.dma_semaphore, #tpu.memory_space<semaphore_mem>>)
      %dma_wait3A_80 = arith.constant 0 : i32
      %dma_wait3A_81 = tpu.memref_slice %arg6[%arg0, %mul3A_74, %dma_wait3A_80] : memref<2x10240x16xf32, #tpu.memory_space<hbm>> -> memref<1x640x16xf32, #tpu.memory_space<hbm>>
      %dma_wait3A_82 = tpu.memref_squeeze %dma_wait3A_81 : memref<1x640x16xf32, #tpu.memory_space<hbm>> -> memref<640x16xf32, #tpu.memory_space<hbm>>
      %dma_wait3A_83 = arith.constant 0 : i32
      %dma_wait3A_84 = tpu.memref_slice %arg11[%mul3A_72, %dma_wait3A_83] : memref<10240x16xf32, #tpu.memory_space<vmem_shared>> -> memref<640x16xf32, #tpu.memory_space<vmem_shared>>
      tpu.wait_dma2 semaphore(%run_scoped3A : memref<!tpu.dma_semaphore, #tpu.memory_space<semaphore_mem>>) src(%dma_wait3A_84 : memref<640x16xf32, #tpu.memory_space<vmem_shared>>) dst(%dma_wait3A_82 : memref<640x16xf32, #tpu.memory_space<hbm>>)
      tpu.yield
    }) : () -> ()
    return
  }
}

#map = affine_map<(d0, d1) -> (0, 0)>
#map1 = affine_map<(d0, d1) -> (0, 0, 0)>
module attributes {stable_mosaic.version = 14 : i64} {
  func.func @_agg_kernel(%arg0: i32, %arg1: i32, %arg2: memref<10240x16xf32, #tpu.memory_space<hbm>>, %arg3: memref<32x10x1024xi32, #tpu.memory_space<hbm>>, %arg4: memref<32x10x1024xi32, #tpu.memory_space<hbm>>, %arg5: memref<640x16xf32, #tpu.memory_space<hbm>>, %arg6: memref<2x10240x16xf32, #tpu.memory_space<hbm>>, %arg7: memref<10x1024xi32, #tpu.memory_space<vmem>>, %arg8: memref<10x1024xi32, #tpu.memory_space<vmem>>, %arg9: memref<1024x16xf32, #tpu.memory_space<vmem>>, %arg10: memref<1024x16xf32, #tpu.memory_space<vmem>>, %arg11: memref<10240x16xf32, #tpu.memory_space<vmem_shared>>, %arg12: memref<!tpu.dma_semaphore, #tpu.memory_space<semaphore_mem>>, %arg13: memref<!tpu.dma_semaphore, #tpu.memory_space<semaphore_mem>>, %arg14: memref<!tpu.dma_semaphore, #tpu.memory_space<semaphore_mem>>, %arg15: memref<!tpu.dma_semaphore, #tpu.memory_space<semaphore_mem>>) attributes {dimension_semantics = [#tpu.dimension_semantics<core_parallel>, #tpu.dimension_semantics<subcore_parallel>], iteration_bounds = array<i64: 2, 16>, scalar_prefetch = 0 : i64, scratch_operands = 9 : i64, tpu.core_type = #tpu.core_type<sc_vector_subcore>, window_params = [{transform_indices = #map}, {transform_indices = #map1}, {transform_indices = #map1}, {transform_indices = #map}, {transform_indices = #map1}]} {
    %mul3A = arith.constant 16 : i32
    %mul3A_0 = arith.muli %arg0, %mul3A : i32
    %add3A = arith.addi %mul3A_0, %arg1 : i32
    %mul3A_1 = arith.constant 640 : i32
    %mul3A_2 = arith.muli %arg1, %mul3A_1 : i32
    %dma_start3A = arith.constant 0 : i32
    %dma_start3A_3 = tpu.memref_slice %arg11[%mul3A_2, %dma_start3A] : memref<10240x16xf32, #tpu.memory_space<vmem_shared>> -> memref<640x16xf32, #tpu.memory_space<vmem_shared>>
    tpu.enqueue_dma source(%arg5 : memref<640x16xf32, #tpu.memory_space<hbm>>) target(%dma_start3A_3 : memref<640x16xf32, #tpu.memory_space<vmem_shared>>) target_semaphore(%arg12 : memref<!tpu.dma_semaphore, #tpu.memory_space<semaphore_mem>>)
    %dma_start3A_4 = arith.constant 0 : i32
    %dma_start3A_5 = arith.constant 0 : i32
    %dma_start3A_6 = tpu.memref_slice %arg3[%add3A, %dma_start3A_4, %dma_start3A_5] : memref<32x10x1024xi32, #tpu.memory_space<hbm>> -> memref<1x10x1024xi32, #tpu.memory_space<hbm>>
    %dma_start3A_7 = tpu.memref_squeeze %dma_start3A_6 : memref<1x10x1024xi32, #tpu.memory_space<hbm>> -> memref<10x1024xi32, #tpu.memory_space<hbm>>
    %dma_start3A_8 = arith.constant 0 : i32
    %dma_start3A_9 = arith.constant 0 : i32
    %dma_start3A_10 = tpu.memref_slice %arg3[%add3A, %dma_start3A_8, %dma_start3A_9] : memref<32x10x1024xi32, #tpu.memory_space<hbm>> -> memref<1x10x1024xi32, #tpu.memory_space<hbm>>
    %dma_start3A_11 = tpu.memref_squeeze %dma_start3A_10 : memref<1x10x1024xi32, #tpu.memory_space<hbm>> -> memref<10x1024xi32, #tpu.memory_space<hbm>>
    tpu.enqueue_dma source(%dma_start3A_11 : memref<10x1024xi32, #tpu.memory_space<hbm>>) target(%arg7 : memref<10x1024xi32, #tpu.memory_space<vmem>>) target_semaphore(%arg13 : memref<!tpu.dma_semaphore, #tpu.memory_space<semaphore_mem>>)
    %dma_start3A_12 = arith.constant 0 : i32
    %dma_start3A_13 = arith.constant 0 : i32
    %dma_start3A_14 = tpu.memref_slice %arg4[%add3A, %dma_start3A_12, %dma_start3A_13] : memref<32x10x1024xi32, #tpu.memory_space<hbm>> -> memref<1x10x1024xi32, #tpu.memory_space<hbm>>
    %dma_start3A_15 = tpu.memref_squeeze %dma_start3A_14 : memref<1x10x1024xi32, #tpu.memory_space<hbm>> -> memref<10x1024xi32, #tpu.memory_space<hbm>>
    %dma_start3A_16 = arith.constant 0 : i32
    %dma_start3A_17 = arith.constant 0 : i32
    %dma_start3A_18 = tpu.memref_slice %arg4[%add3A, %dma_start3A_16, %dma_start3A_17] : memref<32x10x1024xi32, #tpu.memory_space<hbm>> -> memref<1x10x1024xi32, #tpu.memory_space<hbm>>
    %dma_start3A_19 = tpu.memref_squeeze %dma_start3A_18 : memref<1x10x1024xi32, #tpu.memory_space<hbm>> -> memref<10x1024xi32, #tpu.memory_space<hbm>>
    tpu.enqueue_dma source(%dma_start3A_19 : memref<10x1024xi32, #tpu.memory_space<hbm>>) target(%arg8 : memref<10x1024xi32, #tpu.memory_space<vmem>>) target_semaphore(%arg14 : memref<!tpu.dma_semaphore, #tpu.memory_space<semaphore_mem>>)
    %dma_wait3A = arith.constant 0 : i32
    %dma_wait3A_20 = tpu.memref_slice %arg11[%mul3A_2, %dma_wait3A] : memref<10240x16xf32, #tpu.memory_space<vmem_shared>> -> memref<640x16xf32, #tpu.memory_space<vmem_shared>>
    tpu.wait_dma2 semaphore(%arg12 : memref<!tpu.dma_semaphore, #tpu.memory_space<semaphore_mem>>) src(%arg5 : memref<640x16xf32, #tpu.memory_space<hbm>>) dst(%dma_wait3A_20 : memref<640x16xf32, #tpu.memory_space<vmem_shared>>)
    %dma_wait3A_21 = arith.constant 0 : i32
    %dma_wait3A_22 = arith.constant 0 : i32
    %dma_wait3A_23 = tpu.memref_slice %arg3[%add3A, %dma_wait3A_21, %dma_wait3A_22] : memref<32x10x1024xi32, #tpu.memory_space<hbm>> -> memref<1x10x1024xi32, #tpu.memory_space<hbm>>
    %dma_wait3A_24 = tpu.memref_squeeze %dma_wait3A_23 : memref<1x10x1024xi32, #tpu.memory_space<hbm>> -> memref<10x1024xi32, #tpu.memory_space<hbm>>
    %dma_wait3A_25 = arith.constant 0 : i32
    %dma_wait3A_26 = arith.constant 0 : i32
    %dma_wait3A_27 = tpu.memref_slice %arg3[%add3A, %dma_wait3A_25, %dma_wait3A_26] : memref<32x10x1024xi32, #tpu.memory_space<hbm>> -> memref<1x10x1024xi32, #tpu.memory_space<hbm>>
    %dma_wait3A_28 = tpu.memref_squeeze %dma_wait3A_27 : memref<1x10x1024xi32, #tpu.memory_space<hbm>> -> memref<10x1024xi32, #tpu.memory_space<hbm>>
    tpu.wait_dma2 semaphore(%arg13 : memref<!tpu.dma_semaphore, #tpu.memory_space<semaphore_mem>>) src(%dma_wait3A_28 : memref<10x1024xi32, #tpu.memory_space<hbm>>) dst(%arg7 : memref<10x1024xi32, #tpu.memory_space<vmem>>)
    %dma_wait3A_29 = arith.constant 0 : i32
    %dma_wait3A_30 = arith.constant 0 : i32
    %dma_wait3A_31 = tpu.memref_slice %arg4[%add3A, %dma_wait3A_29, %dma_wait3A_30] : memref<32x10x1024xi32, #tpu.memory_space<hbm>> -> memref<1x10x1024xi32, #tpu.memory_space<hbm>>
    %dma_wait3A_32 = tpu.memref_squeeze %dma_wait3A_31 : memref<1x10x1024xi32, #tpu.memory_space<hbm>> -> memref<10x1024xi32, #tpu.memory_space<hbm>>
    %dma_wait3A_33 = arith.constant 0 : i32
    %dma_wait3A_34 = arith.constant 0 : i32
    %dma_wait3A_35 = tpu.memref_slice %arg4[%add3A, %dma_wait3A_33, %dma_wait3A_34] : memref<32x10x1024xi32, #tpu.memory_space<hbm>> -> memref<1x10x1024xi32, #tpu.memory_space<hbm>>
    %dma_wait3A_36 = tpu.memref_squeeze %dma_wait3A_35 : memref<1x10x1024xi32, #tpu.memory_space<hbm>> -> memref<10x1024xi32, #tpu.memory_space<hbm>>
    tpu.wait_dma2 semaphore(%arg14 : memref<!tpu.dma_semaphore, #tpu.memory_space<semaphore_mem>>) src(%dma_wait3A_36 : memref<10x1024xi32, #tpu.memory_space<hbm>>) dst(%arg8 : memref<10x1024xi32, #tpu.memory_space<vmem>>)
    %barrier3A = arith.constant 0 : index
    tpu.barrier barrier_id(%barrier3A)
    %dma_start3A_37 = arith.constant 0 : i32
    %dma_start3A_38 = arith.constant 0 : i32
    %dma_start3A_39 = tpu.memref_slice %arg7[%dma_start3A_37, %dma_start3A_38] : memref<10x1024xi32, #tpu.memory_space<vmem>> -> memref<1x1024xi32, #tpu.memory_space<vmem>>
    %dma_start3A_40 = tpu.memref_squeeze %dma_start3A_39 : memref<1x1024xi32, #tpu.memory_space<vmem>> -> memref<1024xi32, #tpu.memory_space<vmem>>
    %dma_start3A_41 = arith.constant 0 : i32
    %dma_start3A_42 = arith.constant 0 : i32
    %dma_start3A_43 = tpu.memref_slice %arg2[%dma_start3A_41, %dma_start3A_42] : memref<10240x16xf32, #tpu.memory_space<hbm>> -> memref<10240x16xf32, #tpu.memory_space<hbm>>
    tpu.enqueue_indirect_dma source(%dma_start3A_43 : memref<10240x16xf32, #tpu.memory_space<hbm>>) target(%arg9 : memref<1024x16xf32, #tpu.memory_space<vmem>>) offsets(%dma_start3A_40 : memref<1024xi32, #tpu.memory_space<vmem>>) semaphore(%arg12 : memref<!tpu.dma_semaphore, #tpu.memory_space<semaphore_mem>>)
    %dma_start3A_44 = arith.constant 1 : i32
    %dma_start3A_45 = arith.constant 0 : i32
    %dma_start3A_46 = tpu.memref_slice %arg7[%dma_start3A_44, %dma_start3A_45] : memref<10x1024xi32, #tpu.memory_space<vmem>> -> memref<1x1024xi32, #tpu.memory_space<vmem>>
    %dma_start3A_47 = tpu.memref_squeeze %dma_start3A_46 : memref<1x1024xi32, #tpu.memory_space<vmem>> -> memref<1024xi32, #tpu.memory_space<vmem>>
    %dma_start3A_48 = arith.constant 0 : i32
    %dma_start3A_49 = arith.constant 0 : i32
    %dma_start3A_50 = tpu.memref_slice %arg2[%dma_start3A_48, %dma_start3A_49] : memref<10240x16xf32, #tpu.memory_space<hbm>> -> memref<10240x16xf32, #tpu.memory_space<hbm>>
    tpu.enqueue_indirect_dma source(%dma_start3A_50 : memref<10240x16xf32, #tpu.memory_space<hbm>>) target(%arg10 : memref<1024x16xf32, #tpu.memory_space<vmem>>) offsets(%dma_start3A_47 : memref<1024xi32, #tpu.memory_space<vmem>>) semaphore(%arg13 : memref<!tpu.dma_semaphore, #tpu.memory_space<semaphore_mem>>)
    %scan3A = arith.constant 0 : i32
    %scan3A_51 = arith.constant 0 : i32
    %scan3A_52 = arith.constant 5 : i32
    %scan3A_53 = arith.addi %scan3A_51, %scan3A_52 : i32
    %scan3A_54 = arith.constant 1 : i32
    scf.for %scan3A_75 = %scan3A_51 to %scan3A_53 step %scan3A_54  : i32 {
      %mul3A_76 = arith.constant 2 : i32
      %mul3A_77 = arith.muli %mul3A_76, %scan3A_75 : i32
      %add3A_78 = arith.constant 0 : i32
      %add3A_79 = arith.addi %mul3A_77, %add3A_78 : i32
      %dma_wait3A_80 = arith.constant 0 : i32
      %dma_wait3A_81 = tpu.memref_slice %arg7[%add3A_79, %dma_wait3A_80] : memref<10x1024xi32, #tpu.memory_space<vmem>> -> memref<1x1024xi32, #tpu.memory_space<vmem>>
      %dma_wait3A_82 = tpu.memref_squeeze %dma_wait3A_81 : memref<1x1024xi32, #tpu.memory_space<vmem>> -> memref<1024xi32, #tpu.memory_space<vmem>>
      %dma_wait3A_83 = arith.constant 0 : i32
      %dma_wait3A_84 = arith.constant 0 : i32
      %dma_wait3A_85 = tpu.memref_slice %arg2[%dma_wait3A_83, %dma_wait3A_84] : memref<10240x16xf32, #tpu.memory_space<hbm>> -> memref<10240x16xf32, #tpu.memory_space<hbm>>
      tpu.wait_indirect_dma semaphore(%arg12 : memref<!tpu.dma_semaphore, #tpu.memory_space<semaphore_mem>>) src(%dma_wait3A_85 : memref<10240x16xf32, #tpu.memory_space<hbm>>) dst(%arg9 : memref<1024x16xf32, #tpu.memory_space<vmem>>)
      %add3A_86 = arith.constant 0 : i32
      %add3A_87 = arith.addi %mul3A_77, %add3A_86 : i32
      %dma_start3A_88 = arith.constant 0 : i32
      %dma_start3A_89 = tpu.memref_slice %arg8[%add3A_87, %dma_start3A_88] : memref<10x1024xi32, #tpu.memory_space<vmem>> -> memref<1x1024xi32, #tpu.memory_space<vmem>>
      %dma_start3A_90 = tpu.memref_squeeze %dma_start3A_89 : memref<1x1024xi32, #tpu.memory_space<vmem>> -> memref<1024xi32, #tpu.memory_space<vmem>>
      %dma_start3A_91 = arith.constant 0 : i32
      %dma_start3A_92 = arith.constant 0 : i32
      %dma_start3A_93 = tpu.memref_slice %arg11[%dma_start3A_91, %dma_start3A_92] : memref<10240x16xf32, #tpu.memory_space<vmem_shared>> -> memref<10240x16xf32, #tpu.memory_space<vmem_shared>>
      tpu.enqueue_indirect_dma source(%arg9 : memref<1024x16xf32, #tpu.memory_space<vmem>>) target(%dma_start3A_93 : memref<10240x16xf32, #tpu.memory_space<vmem_shared>>) offsets(%dma_start3A_90 : memref<1024xi32, #tpu.memory_space<vmem>>) semaphore(%arg14 : memref<!tpu.dma_semaphore, #tpu.memory_space<semaphore_mem>>) {add = true}
      %add3A_94 = arith.constant 1 : i32
      %add3A_95 = arith.addi %mul3A_77, %add3A_94 : i32
      %dma_wait3A_96 = arith.constant 0 : i32
      %dma_wait3A_97 = tpu.memref_slice %arg7[%add3A_95, %dma_wait3A_96] : memref<10x1024xi32, #tpu.memory_space<vmem>> -> memref<1x1024xi32, #tpu.memory_space<vmem>>
      %dma_wait3A_98 = tpu.memref_squeeze %dma_wait3A_97 : memref<1x1024xi32, #tpu.memory_space<vmem>> -> memref<1024xi32, #tpu.memory_space<vmem>>
      %dma_wait3A_99 = arith.constant 0 : i32
      %dma_wait3A_100 = arith.constant 0 : i32
      %dma_wait3A_101 = tpu.memref_slice %arg2[%dma_wait3A_99, %dma_wait3A_100] : memref<10240x16xf32, #tpu.memory_space<hbm>> -> memref<10240x16xf32, #tpu.memory_space<hbm>>
      tpu.wait_indirect_dma semaphore(%arg13 : memref<!tpu.dma_semaphore, #tpu.memory_space<semaphore_mem>>) src(%dma_wait3A_101 : memref<10240x16xf32, #tpu.memory_space<hbm>>) dst(%arg10 : memref<1024x16xf32, #tpu.memory_space<vmem>>)
      %add3A_102 = arith.constant 1 : i32
      %add3A_103 = arith.addi %mul3A_77, %add3A_102 : i32
      %dma_start3A_104 = arith.constant 0 : i32
      %dma_start3A_105 = tpu.memref_slice %arg8[%add3A_103, %dma_start3A_104] : memref<10x1024xi32, #tpu.memory_space<vmem>> -> memref<1x1024xi32, #tpu.memory_space<vmem>>
      %dma_start3A_106 = tpu.memref_squeeze %dma_start3A_105 : memref<1x1024xi32, #tpu.memory_space<vmem>> -> memref<1024xi32, #tpu.memory_space<vmem>>
      %dma_start3A_107 = arith.constant 0 : i32
      %dma_start3A_108 = arith.constant 0 : i32
      %dma_start3A_109 = tpu.memref_slice %arg11[%dma_start3A_107, %dma_start3A_108] : memref<10240x16xf32, #tpu.memory_space<vmem_shared>> -> memref<10240x16xf32, #tpu.memory_space<vmem_shared>>
      tpu.enqueue_indirect_dma source(%arg10 : memref<1024x16xf32, #tpu.memory_space<vmem>>) target(%dma_start3A_109 : memref<10240x16xf32, #tpu.memory_space<vmem_shared>>) offsets(%dma_start3A_106 : memref<1024xi32, #tpu.memory_space<vmem>>) semaphore(%arg15 : memref<!tpu.dma_semaphore, #tpu.memory_space<semaphore_mem>>) {add = true}
      %lt3A = arith.constant 4 : i32
      %lt3A_110 = arith.cmpi slt, %scan3A_75, %lt3A : i32
      %convert_element_type3A = arith.extui %lt3A_110 : i1 to i32
      %cond3A = arith.constant 0 : i32
      %cond3A_111 = arith.cmpi ne, %convert_element_type3A, %cond3A : i32
      scf.if %cond3A_111 {
        %add3A_112 = arith.constant 0 : i32
        %add3A_113 = arith.addi %mul3A_77, %add3A_112 : i32
        %dma_wait3A_114 = arith.constant 0 : i32
        %dma_wait3A_115 = tpu.memref_slice %arg8[%add3A_113, %dma_wait3A_114] : memref<10x1024xi32, #tpu.memory_space<vmem>> -> memref<1x1024xi32, #tpu.memory_space<vmem>>
        %dma_wait3A_116 = tpu.memref_squeeze %dma_wait3A_115 : memref<1x1024xi32, #tpu.memory_space<vmem>> -> memref<1024xi32, #tpu.memory_space<vmem>>
        %dma_wait3A_117 = arith.constant 0 : i32
        %dma_wait3A_118 = arith.constant 0 : i32
        %dma_wait3A_119 = tpu.memref_slice %arg11[%dma_wait3A_117, %dma_wait3A_118] : memref<10240x16xf32, #tpu.memory_space<vmem_shared>> -> memref<10240x16xf32, #tpu.memory_space<vmem_shared>>
        tpu.wait_indirect_dma semaphore(%arg14 : memref<!tpu.dma_semaphore, #tpu.memory_space<semaphore_mem>>) src(%arg9 : memref<1024x16xf32, #tpu.memory_space<vmem>>) dst(%dma_wait3A_119 : memref<10240x16xf32, #tpu.memory_space<vmem_shared>>)
        %add3A_120 = arith.constant 2 : i32
        %add3A_121 = arith.addi %mul3A_77, %add3A_120 : i32
        %add3A_122 = arith.constant 0 : i32
        %add3A_123 = arith.addi %add3A_121, %add3A_122 : i32
        %dma_start3A_124 = arith.constant 0 : i32
        %dma_start3A_125 = tpu.memref_slice %arg7[%add3A_123, %dma_start3A_124] : memref<10x1024xi32, #tpu.memory_space<vmem>> -> memref<1x1024xi32, #tpu.memory_space<vmem>>
        %dma_start3A_126 = tpu.memref_squeeze %dma_start3A_125 : memref<1x1024xi32, #tpu.memory_space<vmem>> -> memref<1024xi32, #tpu.memory_space<vmem>>
        %dma_start3A_127 = arith.constant 0 : i32
        %dma_start3A_128 = arith.constant 0 : i32
        %dma_start3A_129 = tpu.memref_slice %arg2[%dma_start3A_127, %dma_start3A_128] : memref<10240x16xf32, #tpu.memory_space<hbm>> -> memref<10240x16xf32, #tpu.memory_space<hbm>>
        tpu.enqueue_indirect_dma source(%dma_start3A_129 : memref<10240x16xf32, #tpu.memory_space<hbm>>) target(%arg9 : memref<1024x16xf32, #tpu.memory_space<vmem>>) offsets(%dma_start3A_126 : memref<1024xi32, #tpu.memory_space<vmem>>) semaphore(%arg12 : memref<!tpu.dma_semaphore, #tpu.memory_space<semaphore_mem>>)
        %add3A_130 = arith.constant 1 : i32
        %add3A_131 = arith.addi %mul3A_77, %add3A_130 : i32
        %dma_wait3A_132 = arith.constant 0 : i32
        %dma_wait3A_133 = tpu.memref_slice %arg8[%add3A_131, %dma_wait3A_132] : memref<10x1024xi32, #tpu.memory_space<vmem>> -> memref<1x1024xi32, #tpu.memory_space<vmem>>
        %dma_wait3A_134 = tpu.memref_squeeze %dma_wait3A_133 : memref<1x1024xi32, #tpu.memory_space<vmem>> -> memref<1024xi32, #tpu.memory_space<vmem>>
        %dma_wait3A_135 = arith.constant 0 : i32
        %dma_wait3A_136 = arith.constant 0 : i32
        %dma_wait3A_137 = tpu.memref_slice %arg11[%dma_wait3A_135, %dma_wait3A_136] : memref<10240x16xf32, #tpu.memory_space<vmem_shared>> -> memref<10240x16xf32, #tpu.memory_space<vmem_shared>>
        tpu.wait_indirect_dma semaphore(%arg15 : memref<!tpu.dma_semaphore, #tpu.memory_space<semaphore_mem>>) src(%arg10 : memref<1024x16xf32, #tpu.memory_space<vmem>>) dst(%dma_wait3A_137 : memref<10240x16xf32, #tpu.memory_space<vmem_shared>>)
        %add3A_138 = arith.constant 2 : i32
        %add3A_139 = arith.addi %mul3A_77, %add3A_138 : i32
        %add3A_140 = arith.constant 1 : i32
        %add3A_141 = arith.addi %add3A_139, %add3A_140 : i32
        %dma_start3A_142 = arith.constant 0 : i32
        %dma_start3A_143 = tpu.memref_slice %arg7[%add3A_141, %dma_start3A_142] : memref<10x1024xi32, #tpu.memory_space<vmem>> -> memref<1x1024xi32, #tpu.memory_space<vmem>>
        %dma_start3A_144 = tpu.memref_squeeze %dma_start3A_143 : memref<1x1024xi32, #tpu.memory_space<vmem>> -> memref<1024xi32, #tpu.memory_space<vmem>>
        %dma_start3A_145 = arith.constant 0 : i32
        %dma_start3A_146 = arith.constant 0 : i32
        %dma_start3A_147 = tpu.memref_slice %arg2[%dma_start3A_145, %dma_start3A_146] : memref<10240x16xf32, #tpu.memory_space<hbm>> -> memref<10240x16xf32, #tpu.memory_space<hbm>>
        tpu.enqueue_indirect_dma source(%dma_start3A_147 : memref<10240x16xf32, #tpu.memory_space<hbm>>) target(%arg10 : memref<1024x16xf32, #tpu.memory_space<vmem>>) offsets(%dma_start3A_144 : memref<1024xi32, #tpu.memory_space<vmem>>) semaphore(%arg13 : memref<!tpu.dma_semaphore, #tpu.memory_space<semaphore_mem>>)
      } else {
      }
    }
    %scan3A_55 = arith.constant 5 : i32
    %dma_wait3A_56 = arith.constant 8 : i32
    %dma_wait3A_57 = arith.constant 0 : i32
    %dma_wait3A_58 = tpu.memref_slice %arg8[%dma_wait3A_56, %dma_wait3A_57] : memref<10x1024xi32, #tpu.memory_space<vmem>> -> memref<1x1024xi32, #tpu.memory_space<vmem>>
    %dma_wait3A_59 = tpu.memref_squeeze %dma_wait3A_58 : memref<1x1024xi32, #tpu.memory_space<vmem>> -> memref<1024xi32, #tpu.memory_space<vmem>>
    %dma_wait3A_60 = arith.constant 0 : i32
    %dma_wait3A_61 = arith.constant 0 : i32
    %dma_wait3A_62 = tpu.memref_slice %arg11[%dma_wait3A_60, %dma_wait3A_61] : memref<10240x16xf32, #tpu.memory_space<vmem_shared>> -> memref<10240x16xf32, #tpu.memory_space<vmem_shared>>
    tpu.wait_indirect_dma semaphore(%arg14 : memref<!tpu.dma_semaphore, #tpu.memory_space<semaphore_mem>>) src(%arg9 : memref<1024x16xf32, #tpu.memory_space<vmem>>) dst(%dma_wait3A_62 : memref<10240x16xf32, #tpu.memory_space<vmem_shared>>)
    %dma_wait3A_63 = arith.constant 9 : i32
    %dma_wait3A_64 = arith.constant 0 : i32
    %dma_wait3A_65 = tpu.memref_slice %arg8[%dma_wait3A_63, %dma_wait3A_64] : memref<10x1024xi32, #tpu.memory_space<vmem>> -> memref<1x1024xi32, #tpu.memory_space<vmem>>
    %dma_wait3A_66 = tpu.memref_squeeze %dma_wait3A_65 : memref<1x1024xi32, #tpu.memory_space<vmem>> -> memref<1024xi32, #tpu.memory_space<vmem>>
    %dma_wait3A_67 = arith.constant 0 : i32
    %dma_wait3A_68 = arith.constant 0 : i32
    %dma_wait3A_69 = tpu.memref_slice %arg11[%dma_wait3A_67, %dma_wait3A_68] : memref<10240x16xf32, #tpu.memory_space<vmem_shared>> -> memref<10240x16xf32, #tpu.memory_space<vmem_shared>>
    tpu.wait_indirect_dma semaphore(%arg15 : memref<!tpu.dma_semaphore, #tpu.memory_space<semaphore_mem>>) src(%arg10 : memref<1024x16xf32, #tpu.memory_space<vmem>>) dst(%dma_wait3A_69 : memref<10240x16xf32, #tpu.memory_space<vmem_shared>>)
    %barrier3A_70 = arith.constant 0 : index
    tpu.barrier barrier_id(%barrier3A_70)
    %mul3A_71 = arith.constant 640 : i32
    %mul3A_72 = arith.muli %arg1, %mul3A_71 : i32
    %mul3A_73 = arith.constant 640 : i32
    %mul3A_74 = arith.muli %arg1, %mul3A_73 : i32
    "tpu.region"() ({
      %run_scoped3A = tpu.sem_alloc : memref<!tpu.dma_semaphore, #tpu.memory_space<semaphore_mem>>
      %dma_start3A_75 = arith.constant 0 : i32
      %dma_start3A_76 = tpu.memref_slice %arg6[%arg0, %mul3A_74, %dma_start3A_75] : memref<2x10240x16xf32, #tpu.memory_space<hbm>> -> memref<1x640x16xf32, #tpu.memory_space<hbm>>
      %dma_start3A_77 = tpu.memref_squeeze %dma_start3A_76 : memref<1x640x16xf32, #tpu.memory_space<hbm>> -> memref<640x16xf32, #tpu.memory_space<hbm>>
      %dma_start3A_78 = arith.constant 0 : i32
      %dma_start3A_79 = tpu.memref_slice %arg11[%mul3A_72, %dma_start3A_78] : memref<10240x16xf32, #tpu.memory_space<vmem_shared>> -> memref<640x16xf32, #tpu.memory_space<vmem_shared>>
      tpu.enqueue_dma source(%dma_start3A_79 : memref<640x16xf32, #tpu.memory_space<vmem_shared>>) target(%dma_start3A_77 : memref<640x16xf32, #tpu.memory_space<hbm>>) target_semaphore(%run_scoped3A : memref<!tpu.dma_semaphore, #tpu.memory_space<semaphore_mem>>)
      %dma_wait3A_80 = arith.constant 0 : i32
      %dma_wait3A_81 = tpu.memref_slice %arg6[%arg0, %mul3A_74, %dma_wait3A_80] : memref<2x10240x16xf32, #tpu.memory_space<hbm>> -> memref<1x640x16xf32, #tpu.memory_space<hbm>>
      %dma_wait3A_82 = tpu.memref_squeeze %dma_wait3A_81 : memref<1x640x16xf32, #tpu.memory_space<hbm>> -> memref<640x16xf32, #tpu.memory_space<hbm>>
      %dma_wait3A_83 = arith.constant 0 : i32
      %dma_wait3A_84 = tpu.memref_slice %arg11[%mul3A_72, %dma_wait3A_83] : memref<10240x16xf32, #tpu.memory_space<vmem_shared>> -> memref<640x16xf32, #tpu.memory_space<vmem_shared>>
      tpu.wait_dma2 semaphore(%run_scoped3A : memref<!tpu.dma_semaphore, #tpu.memory_space<semaphore_mem>>) src(%dma_wait3A_84 : memref<640x16xf32, #tpu.memory_space<vmem_shared>>) dst(%dma_wait3A_82 : memref<640x16xf32, #tpu.memory_space<hbm>>)
      tpu.yield
    }) : () -> ()
    return
  }
}

module attributes {stable_mosaic.version = 14 : i64} {
  func.func @_phase_a_body(%arg0: i32, %arg1: memref<2048x128xf32, #tpu.memory_space<vmem>>, %arg2: memref<128x16xf32, #tpu.memory_space<vmem>>, %arg3: memref<2x2048x16xf32, #tpu.memory_space<vmem>>, %arg4: memref<2048x16xf32, #tpu.memory_space<vmem>>) attributes {dimension_semantics = [#tpu.dimension_semantics<arbitrary>], iteration_bounds = array<i64: 5>, scalar_prefetch = 0 : i64, scratch_operands = 0 : i64, tpu.core_type = #tpu.core_type<tc>, window_params = [{transform_indices = @transform_0, window_bounds = array<i64: 2048, 128>}, {pipeline_mode = #tpu.pipeline_mode<synchronous>, transform_indices = @transform_1, window_bounds = array<i64: 128, 16>}, {transform_indices = @transform_2, window_bounds = array<i64: 2, 2048, 16>}, {transform_indices = @transform_3, window_bounds = array<i64: 2048, 16>}]} {
    %get3A = arith.constant 0 : index
    %get3A_0 = arith.constant 0 : index
    %get3A_1 = vector.load %arg1[%get3A, %get3A_0] : memref<2048x128xf32, #tpu.memory_space<vmem>>, vector<2048x128xf32>
    %get3A_2 = arith.constant 0 : index
    %get3A_3 = arith.constant 0 : index
    %get3A_4 = vector.load %arg2[%get3A_2, %get3A_3] : memref<128x16xf32, #tpu.memory_space<vmem>>, vector<128x16xf32>
    %dot_general3A = arith.constant dense<0.000000e+00> : vector<2048x16xf32>
    %dot_general3A_5 = tpu.matmul %get3A_1, %get3A_4, %dot_general3A {dimension_numbers = #tpu.dot_dimension_numbers<[1], [0], [0], [1], [0, 0, 1, 1], [], []>, transpose_lhs_hint = false} : vector<2048x128xf32>, vector<128x16xf32>, vector<2048x16xf32> -> vector<2048x16xf32>
    %get3A_6 = arith.constant 0 : index
    %get3A_7 = arith.constant 0 : index
    %get3A_8 = arith.constant 0 : index
    %get3A_9 = vector.load %arg3[%get3A_6, %get3A_7, %get3A_8] : memref<2x2048x16xf32, #tpu.memory_space<vmem>>, vector<2x2048x16xf32>
    %slice3A = vector.extract_strided_slice %get3A_9 {offsets = [0, 0, 0], sizes = [1, 2048, 1], strides = [1, 1, 1]} : vector<2x2048x16xf32> to vector<1x2048x1xf32>
    %squeeze3A = vector.shape_cast %slice3A : vector<1x2048x1xf32> to vector<2048xf32>
    %slice3A_10 = vector.extract_strided_slice %get3A_9 {offsets = [1, 0, 0], sizes = [1, 2048, 1], strides = [1, 1, 1]} : vector<2x2048x16xf32> to vector<1x2048x1xf32>
    %squeeze3A_11 = vector.shape_cast %slice3A_10 : vector<1x2048x1xf32> to vector<2048xf32>
    %add3A = arith.addf %squeeze3A, %squeeze3A_11 : vector<2048xf32>
    %add3A_12 = arith.constant 1.000000e+00 : f32
    %add3A_13 = vector.broadcast %add3A_12 : f32 to vector<2048xf32>
    %add3A_14 = arith.addf %add3A, %add3A_13 : vector<2048xf32>
    %rsqrt3A = math.rsqrt %add3A_14 : vector<2048xf32>
    %mul3A = arith.constant 2048 : i32
    %mul3A_15 = arith.muli %arg0, %mul3A : i32
    %iota3A = tpu.iota {dimensions = array<i32: 1>} : vector<1x2048xi32>
    %iota3A_16 = vector.shape_cast %iota3A : vector<1x2048xi32> to vector<2048xi32>
    %add3A_17 = vector.broadcast %mul3A_15 : i32 to vector<2048xi32>
    %add3A_18 = arith.addi %add3A_17, %iota3A_16 : vector<2048xi32>
    %lt3A = arith.constant 10000 : i32
    %lt3A_19 = vector.broadcast %lt3A : i32 to vector<2048xi32>
    %lt3A_20 = arith.cmpi slt, %add3A_18, %lt3A_19 : vector<2048xi32>
    %jit3A = arith.constant 0.000000e+00 : f32
    %broadcast_in_dim3A = vector.broadcast %jit3A : f32 to vector<2048xf32>
    %select_n3A = arith.select %lt3A_20, %rsqrt3A, %broadcast_in_dim3A : vector<2048xi1>, vector<2048xf32>
    %broadcast_in_dim3A_21 = vector.shape_cast %select_n3A : vector<2048xf32> to vector<2048x1xf32>
    %mul3A_22 = vector.broadcast %broadcast_in_dim3A_21 : vector<2048x1xf32> to vector<2048x16xf32>
    %mul3A_23 = arith.mulf %dot_general3A_5, %mul3A_22 : vector<2048x16xf32>
    %swap3A = arith.constant 0 : index
    %swap3A_24 = arith.constant 0 : index
    %swap3A_25 = vector.load %arg4[%swap3A, %swap3A_24] : memref<2048x16xf32, #tpu.memory_space<vmem>>, vector<2048x16xf32>
    tpu.vector_store %arg4[%swap3A, %swap3A_24], %mul3A_23 {strides = array<i32>} : memref<2048x16xf32, #tpu.memory_space<vmem>>, vector<2048x16xf32>,
    return
  }
  func.func @transform_0(%arg0: i32) -> (i32, i32) {
    %c0_i32 = arith.constant 0 : i32
    %c0_i32_0 = arith.constant 0 : i32
    return %arg0, %c0_i32 : i32, i32
  }
  func.func @transform_1(%arg0: i32) -> (i32, i32) {
    %c0_i32 = arith.constant 0 : i32
    %c0_i32_0 = arith.constant 0 : i32
    %c0_i32_1 = arith.constant 0 : i32
    return %c0_i32, %c0_i32_0 : i32, i32
  }
  func.func @transform_2(%arg0: i32) -> (i32, i32, i32) {
    %c0_i32 = arith.constant 0 : i32
    %c0_i32_0 = arith.constant 0 : i32
    %c0_i32_1 = arith.constant 0 : i32
    return %c0_i32, %arg0, %c0_i32_0 : i32, i32, i32
  }
  func.func @transform_3(%arg0: i32) -> (i32, i32) {
    %c0_i32 = arith.constant 0 : i32
    %c0_i32_0 = arith.constant 0 : i32
    return %arg0, %c0_i32 : i32, i32
  }
}

module attributes {stable_mosaic.version = 14 : i64} {
  func.func @_phase_b_body(%arg0: i32, %arg1: memref<2x2048x16xf32, #tpu.memory_space<vmem>>, %arg2: memref<2048x16xf32, #tpu.memory_space<vmem>>, %arg3: memref<2x2048x16xf32, #tpu.memory_space<vmem>>, %arg4: memref<16x16xf32, #tpu.memory_space<vmem>>, %arg5: memref<1x16xf32, #tpu.memory_space<vmem>>, %arg6: memref<2048x16xf32, #tpu.memory_space<vmem>>) attributes {dimension_semantics = [#tpu.dimension_semantics<arbitrary>], iteration_bounds = array<i64: 5>, scalar_prefetch = 0 : i64, scratch_operands = 0 : i64, tpu.core_type = #tpu.core_type<tc>, window_params = [{transform_indices = @transform_0, window_bounds = array<i64: 2, 2048, 16>}, {transform_indices = @transform_1, window_bounds = array<i64: 2048, 16>}, {transform_indices = @transform_2, window_bounds = array<i64: 2, 2048, 16>}, {pipeline_mode = #tpu.pipeline_mode<synchronous>, transform_indices = @transform_3, window_bounds = array<i64: 16, 16>}, {pipeline_mode = #tpu.pipeline_mode<synchronous>, transform_indices = @transform_4, window_bounds = array<i64: 1, 16>}, {transform_indices = @transform_5, window_bounds = array<i64: 2048, 16>}]} {
    %get3A = arith.constant 0 : index
    %get3A_0 = arith.constant 0 : index
    %get3A_1 = arith.constant 0 : index
    %get3A_2 = vector.load %arg1[%get3A, %get3A_0, %get3A_1] : memref<2x2048x16xf32, #tpu.memory_space<vmem>>, vector<2x2048x16xf32>
    %get3A_3 = arith.constant 0 : index
    %get3A_4 = arith.constant 0 : index
    %get3A_5 = arith.constant 0 : index
    %get3A_6 = vector.load %arg3[%get3A_3, %get3A_4, %get3A_5] : memref<2x2048x16xf32, #tpu.memory_space<vmem>>, vector<2x2048x16xf32>
    %slice3A = vector.extract_strided_slice %get3A_6 {offsets = [0, 0, 0], sizes = [1, 2048, 1], strides = [1, 1, 1]} : vector<2x2048x16xf32> to vector<1x2048x1xf32>
    %squeeze3A = vector.shape_cast %slice3A : vector<1x2048x1xf32> to vector<2048xf32>
    %slice3A_7 = vector.extract_strided_slice %get3A_6 {offsets = [1, 0, 0], sizes = [1, 2048, 1], strides = [1, 1, 1]} : vector<2x2048x16xf32> to vector<1x2048x1xf32>
    %squeeze3A_8 = vector.shape_cast %slice3A_7 : vector<1x2048x1xf32> to vector<2048xf32>
    %add3A = arith.addf %squeeze3A, %squeeze3A_8 : vector<2048xf32>
    %add3A_9 = arith.constant 1.000000e+00 : f32
    %add3A_10 = vector.broadcast %add3A_9 : f32 to vector<2048xf32>
    %add3A_11 = arith.addf %add3A, %add3A_10 : vector<2048xf32>
    %rsqrt3A = math.rsqrt %add3A_11 : vector<2048xf32>
    %broadcast_in_dim3A = vector.shape_cast %rsqrt3A : vector<2048xf32> to vector<2048x1xf32>
    %slice3A_12 = vector.extract_strided_slice %get3A_2 {offsets = [0, 0, 0], sizes = [1, 2048, 16], strides = [1, 1, 1]} : vector<2x2048x16xf32> to vector<1x2048x16xf32>
    %squeeze3A_13 = vector.shape_cast %slice3A_12 : vector<1x2048x16xf32> to vector<2048x16xf32>
    %slice3A_14 = vector.extract_strided_slice %get3A_2 {offsets = [1, 0, 0], sizes = [1, 2048, 16], strides = [1, 1, 1]} : vector<2x2048x16xf32> to vector<1x2048x16xf32>
    %squeeze3A_15 = vector.shape_cast %slice3A_14 : vector<1x2048x16xf32> to vector<2048x16xf32>
    %add3A_16 = arith.addf %squeeze3A_13, %squeeze3A_15 : vector<2048x16xf32>
    %get3A_17 = arith.constant 0 : index
    %get3A_18 = arith.constant 0 : index
    %get3A_19 = vector.load %arg2[%get3A_17, %get3A_18] : memref<2048x16xf32, #tpu.memory_space<vmem>>, vector<2048x16xf32>
    %add3A_20 = arith.addf %add3A_16, %get3A_19 : vector<2048x16xf32>
    %mul3A = vector.broadcast %broadcast_in_dim3A : vector<2048x1xf32> to vector<2048x16xf32>
    %mul3A_21 = arith.mulf %mul3A, %add3A_20 : vector<2048x16xf32>
    %get3A_22 = arith.constant 0 : index
    %get3A_23 = arith.constant 0 : index
    %get3A_24 = vector.load %arg5[%get3A_22, %get3A_23] : memref<1x16xf32, #tpu.memory_space<vmem>>, vector<1x16xf32>
    %get3A_25 = vector.shape_cast %get3A_24 : vector<1x16xf32> to vector<16xf32>
    %broadcast_in_dim3A_26 = vector.shape_cast %get3A_25 : vector<16xf32> to vector<1x16xf32>
    %add3A_27 = vector.broadcast %broadcast_in_dim3A_26 : vector<1x16xf32> to vector<2048x16xf32>
    %add3A_28 = arith.addf %mul3A_21, %add3A_27 : vector<2048x16xf32>
    %max3A = arith.constant 0.000000e+00 : f32
    %max3A_29 = vector.broadcast %max3A : f32 to vector<2048x16xf32>
    %max3A_30 = arith.maximumf %add3A_28, %max3A_29 : vector<2048x16xf32>
    %get3A_31 = arith.constant 0 : index
    %get3A_32 = arith.constant 0 : index
    %get3A_33 = vector.load %arg4[%get3A_31, %get3A_32] : memref<16x16xf32, #tpu.memory_space<vmem>>, vector<16x16xf32>
    %dot_general3A = arith.constant dense<0.000000e+00> : vector<2048x16xf32>
    %dot_general3A_34 = tpu.matmul %max3A_30, %get3A_33, %dot_general3A {dimension_numbers = #tpu.dot_dimension_numbers<[1], [0], [0], [1], [0, 0, 1, 1], [], []>, transpose_lhs_hint = false} : vector<2048x16xf32>, vector<16x16xf32>, vector<2048x16xf32> -> vector<2048x16xf32>
    %mul3A_35 = arith.constant 2048 : i32
    %mul3A_36 = arith.muli %arg0, %mul3A_35 : i32
    %iota3A = tpu.iota {dimensions = array<i32: 1>} : vector<1x2048xi32>
    %iota3A_37 = vector.shape_cast %iota3A : vector<1x2048xi32> to vector<2048xi32>
    %add3A_38 = vector.broadcast %mul3A_36 : i32 to vector<2048xi32>
    %add3A_39 = arith.addi %add3A_38, %iota3A_37 : vector<2048xi32>
    %lt3A = arith.constant 10000 : i32
    %lt3A_40 = vector.broadcast %lt3A : i32 to vector<2048xi32>
    %lt3A_41 = arith.cmpi slt, %add3A_39, %lt3A_40 : vector<2048xi32>
    %jit3A = arith.constant 0.000000e+00 : f32
    %broadcast_in_dim3A_42 = vector.broadcast %jit3A : f32 to vector<2048xf32>
    %select_n3A = arith.select %lt3A_41, %rsqrt3A, %broadcast_in_dim3A_42 : vector<2048xi1>, vector<2048xf32>
    %broadcast_in_dim3A_43 = vector.shape_cast %select_n3A : vector<2048xf32> to vector<2048x1xf32>
    %mul3A_44 = vector.broadcast %broadcast_in_dim3A_43 : vector<2048x1xf32> to vector<2048x16xf32>
    %mul3A_45 = arith.mulf %dot_general3A_34, %mul3A_44 : vector<2048x16xf32>
    %swap3A = arith.constant 0 : index
    %swap3A_46 = arith.constant 0 : index
    %swap3A_47 = vector.load %arg6[%swap3A, %swap3A_46] : memref<2048x16xf32, #tpu.memory_space<vmem>>, vector<2048x16xf32>
    tpu.vector_store %arg6[%swap3A, %swap3A_46], %mul3A_45 {strides = array<i32>} : memref<2048x16xf32, #tpu.memory_space<vmem>>, vector<2048x16xf32>,
    return
  }
  func.func @transform_0(%arg0: i32) -> (i32, i32, i32) {
    %c0_i32 = arith.constant 0 : i32
    %c0_i32_0 = arith.constant 0 : i32
    %c0_i32_1 = arith.constant 0 : i32
    return %c0_i32, %arg0, %c0_i32_0 : i32, i32, i32
  }
  func.func @transform_1(%arg0: i32) -> (i32, i32) {
    %c0_i32 = arith.constant 0 : i32
    %c0_i32_0 = arith.constant 0 : i32
    return %arg0, %c0_i32 : i32, i32
  }
  func.func @transform_2(%arg0: i32) -> (i32, i32, i32) {
    %c0_i32 = arith.constant 0 : i32
    %c0_i32_0 = arith.constant 0 : i32
    %c0_i32_1 = arith.constant 0 : i32
    return %c0_i32, %arg0, %c0_i32_0 : i32, i32, i32
  }
  func.func @transform_3(%arg0: i32) -> (i32, i32) {
    %c0_i32 = arith.constant 0 : i32
    %c0_i32_0 = arith.constant 0 : i32
    %c0_i32_1 = arith.constant 0 : i32
    return %c0_i32, %c0_i32_0 : i32, i32
  }
  func.func @transform_4(%arg0: i32) -> (i32, i32) {
    %c0_i32 = arith.constant 0 : i32
    %c0_i32_0 = arith.constant 0 : i32
    %c0_i32_1 = arith.constant 0 : i32
    return %c0_i32, %c0_i32_0 : i32, i32
  }
  func.func @transform_5(%arg0: i32) -> (i32, i32) {
    %c0_i32 = arith.constant 0 : i32
    %c0_i32_0 = arith.constant 0 : i32
    return %arg0, %c0_i32 : i32, i32
  }
}

module attributes {stable_mosaic.version = 14 : i64} {
  func.func @_phase_c_body(%arg0: i32, %arg1: memref<2x2048x16xf32, #tpu.memory_space<vmem>>, %arg2: memref<2048x16xf32, #tpu.memory_space<vmem>>, %arg3: memref<2x2048x16xf32, #tpu.memory_space<vmem>>, %arg4: memref<1x16xf32, #tpu.memory_space<vmem>>, %arg5: memref<2048x16xf32, #tpu.memory_space<vmem>>) attributes {dimension_semantics = [#tpu.dimension_semantics<arbitrary>], iteration_bounds = array<i64: 5>, scalar_prefetch = 0 : i64, scratch_operands = 0 : i64, tpu.core_type = #tpu.core_type<tc>, window_params = [{transform_indices = @transform_0, window_bounds = array<i64: 2, 2048, 16>}, {transform_indices = @transform_1, window_bounds = array<i64: 2048, 16>}, {transform_indices = @transform_2, window_bounds = array<i64: 2, 2048, 16>}, {pipeline_mode = #tpu.pipeline_mode<synchronous>, transform_indices = @transform_3, window_bounds = array<i64: 1, 16>}, {transform_indices = @transform_4, window_bounds = array<i64: 2048, 16>}]} {
    %get3A = arith.constant 0 : index
    %get3A_0 = arith.constant 0 : index
    %get3A_1 = arith.constant 0 : index
    %get3A_2 = vector.load %arg1[%get3A, %get3A_0, %get3A_1] : memref<2x2048x16xf32, #tpu.memory_space<vmem>>, vector<2x2048x16xf32>
    %get3A_3 = arith.constant 0 : index
    %get3A_4 = arith.constant 0 : index
    %get3A_5 = arith.constant 0 : index
    %get3A_6 = vector.load %arg3[%get3A_3, %get3A_4, %get3A_5] : memref<2x2048x16xf32, #tpu.memory_space<vmem>>, vector<2x2048x16xf32>
    %slice3A = vector.extract_strided_slice %get3A_6 {offsets = [0, 0, 0], sizes = [1, 2048, 1], strides = [1, 1, 1]} : vector<2x2048x16xf32> to vector<1x2048x1xf32>
    %squeeze3A = vector.shape_cast %slice3A : vector<1x2048x1xf32> to vector<2048xf32>
    %slice3A_7 = vector.extract_strided_slice %get3A_6 {offsets = [1, 0, 0], sizes = [1, 2048, 1], strides = [1, 1, 1]} : vector<2x2048x16xf32> to vector<1x2048x1xf32>
    %squeeze3A_8 = vector.shape_cast %slice3A_7 : vector<1x2048x1xf32> to vector<2048xf32>
    %add3A = arith.addf %squeeze3A, %squeeze3A_8 : vector<2048xf32>
    %add3A_9 = arith.constant 1.000000e+00 : f32
    %add3A_10 = vector.broadcast %add3A_9 : f32 to vector<2048xf32>
    %add3A_11 = arith.addf %add3A, %add3A_10 : vector<2048xf32>
    %rsqrt3A = math.rsqrt %add3A_11 : vector<2048xf32>
    %broadcast_in_dim3A = vector.shape_cast %rsqrt3A : vector<2048xf32> to vector<2048x1xf32>
    %slice3A_12 = vector.extract_strided_slice %get3A_2 {offsets = [0, 0, 0], sizes = [1, 2048, 16], strides = [1, 1, 1]} : vector<2x2048x16xf32> to vector<1x2048x16xf32>
    %squeeze3A_13 = vector.shape_cast %slice3A_12 : vector<1x2048x16xf32> to vector<2048x16xf32>
    %slice3A_14 = vector.extract_strided_slice %get3A_2 {offsets = [1, 0, 0], sizes = [1, 2048, 16], strides = [1, 1, 1]} : vector<2x2048x16xf32> to vector<1x2048x16xf32>
    %squeeze3A_15 = vector.shape_cast %slice3A_14 : vector<1x2048x16xf32> to vector<2048x16xf32>
    %add3A_16 = arith.addf %squeeze3A_13, %squeeze3A_15 : vector<2048x16xf32>
    %get3A_17 = arith.constant 0 : index
    %get3A_18 = arith.constant 0 : index
    %get3A_19 = vector.load %arg2[%get3A_17, %get3A_18] : memref<2048x16xf32, #tpu.memory_space<vmem>>, vector<2048x16xf32>
    %add3A_20 = arith.addf %add3A_16, %get3A_19 : vector<2048x16xf32>
    %mul3A = vector.broadcast %broadcast_in_dim3A : vector<2048x1xf32> to vector<2048x16xf32>
    %mul3A_21 = arith.mulf %mul3A, %add3A_20 : vector<2048x16xf32>
    %get3A_22 = arith.constant 0 : index
    %get3A_23 = arith.constant 0 : index
    %get3A_24 = vector.load %arg4[%get3A_22, %get3A_23] : memref<1x16xf32, #tpu.memory_space<vmem>>, vector<1x16xf32>
    %get3A_25 = vector.shape_cast %get3A_24 : vector<1x16xf32> to vector<16xf32>
    %broadcast_in_dim3A_26 = vector.shape_cast %get3A_25 : vector<16xf32> to vector<1x16xf32>
    %add3A_27 = vector.broadcast %broadcast_in_dim3A_26 : vector<1x16xf32> to vector<2048x16xf32>
    %add3A_28 = arith.addf %mul3A_21, %add3A_27 : vector<2048x16xf32>
    %iota3A = tpu.iota {dimensions = array<i32: 1>} : vector<2048x16xi32>
    %lt3A = arith.constant 7 : i32
    %lt3A_29 = vector.broadcast %lt3A : i32 to vector<2048x16xi32>
    %lt3A_30 = arith.cmpi slt, %iota3A, %lt3A_29 : vector<2048x16xi32>
    %jit3A = arith.constant -1.000000e+30 : f32
    %broadcast_in_dim3A_31 = vector.broadcast %jit3A : f32 to vector<2048x16xf32>
    %select_n3A = arith.select %lt3A_30, %add3A_28, %broadcast_in_dim3A_31 : vector<2048x16xi1>, vector<2048x16xf32>
    %reduce_max3A = arith.constant dense<0xFF800000> : vector<2048xf32>
    %reduce_max3A_32 = vector.multi_reduction <maximumf>, %select_n3A, %reduce_max3A [1] : vector<2048x16xf32> to vector<2048xf32>
    %broadcast_in_dim3A_33 = vector.shape_cast %reduce_max3A_32 : vector<2048xf32> to vector<2048x1xf32>
    %sub3A = vector.broadcast %broadcast_in_dim3A_33 : vector<2048x1xf32> to vector<2048x16xf32>
    %sub3A_34 = arith.subf %select_n3A, %sub3A : vector<2048x16xf32>
    %exp3A = math.exp %sub3A_34 : vector<2048x16xf32>
    %jit3A_35 = arith.constant 0.000000e+00 : f32
    %broadcast_in_dim3A_36 = vector.broadcast %jit3A_35 : f32 to vector<2048x16xf32>
    %select_n3A_37 = arith.select %lt3A_30, %exp3A, %broadcast_in_dim3A_36 : vector<2048x16xi1>, vector<2048x16xf32>
    %reduce_sum3A = arith.constant dense<0.000000e+00> : vector<2048xf32>
    %reduce_sum3A_38 = vector.multi_reduction <add>, %select_n3A_37, %reduce_sum3A [1] : vector<2048x16xf32> to vector<2048xf32>
    %broadcast_in_dim3A_39 = vector.shape_cast %reduce_sum3A_38 : vector<2048xf32> to vector<2048x1xf32>
    %log3A = math.log %broadcast_in_dim3A_39 : vector<2048x1xf32>
    %sub3A_40 = vector.broadcast %broadcast_in_dim3A_33 : vector<2048x1xf32> to vector<2048x16xf32>
    %sub3A_41 = arith.subf %add3A_28, %sub3A_40 : vector<2048x16xf32>
    %sub3A_42 = vector.broadcast %log3A : vector<2048x1xf32> to vector<2048x16xf32>
    %sub3A_43 = arith.subf %sub3A_41, %sub3A_42 : vector<2048x16xf32>
    %swap3A = arith.constant 0 : index
    %swap3A_44 = arith.constant 0 : index
    %swap3A_45 = vector.load %arg5[%swap3A, %swap3A_44] : memref<2048x16xf32, #tpu.memory_space<vmem>>, vector<2048x16xf32>
    tpu.vector_store %arg5[%swap3A, %swap3A_44], %sub3A_43 {strides = array<i32>} : memref<2048x16xf32, #tpu.memory_space<vmem>>, vector<2048x16xf32>,
    return
  }
  func.func @transform_0(%arg0: i32) -> (i32, i32, i32) {
    %c0_i32 = arith.constant 0 : i32
    %c0_i32_0 = arith.constant 0 : i32
    %c0_i32_1 = arith.constant 0 : i32
    return %c0_i32, %arg0, %c0_i32_0 : i32, i32, i32
  }
  func.func @transform_1(%arg0: i32) -> (i32, i32) {
    %c0_i32 = arith.constant 0 : i32
    %c0_i32_0 = arith.constant 0 : i32
    return %arg0, %c0_i32 : i32, i32
  }
  func.func @transform_2(%arg0: i32) -> (i32, i32, i32) {
    %c0_i32 = arith.constant 0 : i32
    %c0_i32_0 = arith.constant 0 : i32
    %c0_i32_1 = arith.constant 0 : i32
    return %c0_i32, %arg0, %c0_i32_0 : i32, i32, i32
  }
  func.func @transform_3(%arg0: i32) -> (i32, i32) {
    %c0_i32 = arith.constant 0 : i32
    %c0_i32_0 = arith.constant 0 : i32
    %c0_i32_1 = arith.constant 0 : i32
    return %c0_i32, %c0_i32_0 : i32, i32
  }
  func.func @transform_4(%arg0: i32) -> (i32, i32) {
    %c0_i32 = arith.constant 0 : i32
    %c0_i32_0 = arith.constant 0 : i32
    return %arg0, %c0_i32 : i32, i32
  }
}

</mosaic_0001>

<sc_bundles>
// kernel: kernel.11.cloned.1.call-start
scs
__scs_entry_jumppad:
0x0: {  	(pc) =	sbr.rel $0x88, $3  }
0x1: {  	(tag) =	ssettag $0x0;
	lr =	simm.s32 $0x1  }
0x2: {  	[smem:$0x3F9B] =	sst lr;
	_ =	strace $0xD0000000  }
0x3: {  	_ = 	snop  }
0x4: {  	_ = 	snop  }
0x5: {  	_ = 	snop  }
0x6: {  	_ = 	snop  }
0x7: {  	_ = 	snop  }
__scs_overlays_trampoline_lowered:
0x8: {  	[smem:$0x3FAA] =	sst s0  }
0x9: {  	[smem:$0x3FAB] =	sst s1  }
0xa: {  	[smem:$0x3FAC] =	sst s2  }
0xb: {  	[smem:$0x3FAD] =	sst s3  }
0xc: {  	[smem:$0x3FAE] =	sst s4  }
0xd: {  	[smem:$0x3FAF] =	sst s5  }
0xe: {  	[smem:$0x3FB0] =	sst s6  }
0xf: {  	[smem:$0x3FB1] =	sst s7  }
0x10: {  	[smem:$0x3FB2] =	sst s8  }
0x11: {  	[smem:$0x3FB3] =	sst s9;
	s0 =	simm.s32 @!p0 $0x0  }
0x12: {  	s1 =	sld [smem:$0x3F99];
	s0 =	simm.s32 @p0 $0x1  }
0x13: {  	[smem:$0x3FB4] =	sst s0;
	s0 =	simm.s32 @!p1 $0x0  }
0x14: {  	s2 =	sld [smem:$0x3F98];
	s0 =	simm.s32 @p1 $0x1  }
0x15: {  	[smem:$0x3FB5] =	sst s0;
	s0 =	simm.s32 @!p2 $0x0  }
0x16: {  	s3 =	sld [smem:$0x3FDB];
	s0 =	simm.s32 @p2 $0x1  }
0x17: {  	s4 =	simm.s32 $0x1BF5;
	[smem:$0x3FB7] =	sst s0  }
0x18: {  	s0 =	sld [smem:$0x3F9A];
	_ =	swait.ge [sflag:s4], $0x0  }
0x19: {  	s7 =	sld [smem:$0x3F9B]  }
0x1a: {  	s8 =	sadd.s32 $0xFFFFE003, lr  }
0x1b: {  	s9 =	sadd.s32 $0xFFFFFEF7, lr;
	s5 =	simm.s32 $0xFFFFFFFF;
	p2 =	slt.u32 s8, $0xFFFFF086  }
0x1c: {  	p1 =	slt.u32 s9, $0xF7A;
	s5 =	simm.s32 @!p2 $0x0  }
0x1d: {  	s5 =	simm.s32 @p1 $0x1;
	p0 =	seq.s32 s7, s2  }
0x1e: {  	s7 =	smul.u32 @!p0 $0xF7A, s2;
	p2 =	seq.s32 @!p0 s5, $0x0  }
0x1f: {  	s9 =	smul.u32 $0xF7A, s1;
	s8 =	simm.s32 @!p0 $0x1BF5;
	p2 =	por !p2, p0  }
0x20: {  	[sflag:s8] =	ssyncset.s32 @!p0 $0xFFFFF086;
	s6 =	sadd.s32 @!p0 s3, s7;
	s7 =	simm.s32 @!p0 $0x108  }
0x21: {  	s3 =	sadd.s32 s3, s9;
	s6 =	sadd.s32 @!p0 $0x88, s6;
	s7 =	simm.s32 @p2 $0x1082  }
0x22: {  	[simem:s7], [sflag:s8] =	dma.local @!p0 [hbm:s6], $0xF7A  }
0x23: {  	s9 =	sor.u32 $0xD0000000, s2;
	s6 =	simm.s32 $0x108;
	_ =	swait.ge @!p0 [sflag:s8], $0x0  }
0x24: {  	s3 =	sadd.s32 $0x88, s3;
	s6 =	simm.s32 @!p1 $0x1082;
	[sflag:s4] =	ssyncset.s32 $0xFFFFF086  }
0x25: {  	[simem:s6], [sflag:s4] =	dma.local [hbm:s3], $0xF7A  }
0x26: {  	[smem:$0x3F9B] =	sst s1;
	(tag) =	ssettag s2;
	_ =	strace s9  }
0x27: {  	s1 =	sld [smem:$0x3FAB]  }
0x28: {  	s2 =	sld [smem:$0x3FAC]  }
0x29: {  	s4 =	sld [smem:$0x3FAE]  }
0x2a: {  	p0 =	seq.s32 s5, $0x0;
	s5 =	sld [smem:$0x3FAF]  }
0x2b: {  	s6 =	sld [smem:$0x3FB0]  }
0x2c: {  	s7 =	sld [smem:$0x3FB1]  }
0x2d: {  	s3 =	simm.s32 $0x108;
	s8 =	sld [smem:$0x3FB2]  }
0x2e: {  	s3 =	simm.s32 @!p0 $0x1082;
	s9 =	sld [smem:$0x3FB3]  }
0x2f: {  	lr =	sadd.s32 s0, s3;
	s0 =	sld [smem:$0x3FAA]  }
0x30: {  	s3 =	sld [smem:$0x3FAD]  }
0x31: {  	[smem:$0x3FB6] =	sst s10  }
0x32: {  	s10 =	sld [smem:$0x3FB4];
	_ =	sdelay $0x3  }
0x33: {  	p0 =	seq.s32 s10, $0x1;
	s10 =	sld [smem:$0x3FB6];
	_ =	sdelay $0x3  }
0x34: {  	[smem:$0x3FB6] =	sst s10  }
0x35: {  	s10 =	sld [smem:$0x3FB5];
	_ =	sdelay $0x3  }
0x36: {  	p1 =	seq.s32 s10, $0x1;
	s10 =	sld [smem:$0x3FB6];
	_ =	sdelay $0x3  }
0x37: {  	[smem:$0x3FB6] =	sst s10  }
0x38: {  	s10 =	sld [smem:$0x3FB7]  }
0x39: {  	_ = 	snop;
	(pc) =	sbr.ind lr, $3  }
0x3a: {  	_ = 	snop  }
0x3b: {  	_ = 	snop  }
0x3c: {  	p2 =	seq.s32 s10, $0x1;
	s10 =	sld [smem:$0x3FB6]  }
0x3d: {  	_ =	shalt  }
0x3e: {  	_ =	shalt  }
0x3f: {  	_ =	shalt  }
0x40: {  	_ =	shalt  }
0x41: {  	_ =	shalt  }
0x42: {  	_ =	shalt  }
0x43: {  	_ =	shalt  }
0x44: {  	_ =	shalt  }
0x45: {  	_ =	shalt  }
0x46: {  	_ =	shalt  }
0x47: {  	_ =	shalt  }
0x48: {  	_ =	shalt  }
0x49: {  	_ =	shalt  }
0x4a: {  	_ =	shalt  }
0x4b: {  	_ =	shalt  }
0x4c: {  	_ =	shalt  }
0x4d: {  	_ =	shalt  }
0x4e: {  	_ =	shalt  }
0x4f: {  	_ =	shalt  }
0x50: {  	_ =	shalt  }
0x51: {  	_ =	shalt  }
0x52: {  	_ =	shalt  }
0x53: {  	_ =	shalt  }
0x54: {  	_ =	shalt  }
0x55: {  	_ =	shalt  }
0x56: {  	_ =	shalt  }
0x57: {  	_ =	shalt  }
0x58: {  	_ =	shalt  }
0x59: {  	_ =	shalt  }
0x5a: {  	_ =	shalt  }
0x5b: {  	_ =	shalt  }
0x5c: {  	_ =	shalt  }
0x5d: {  	_ =	shalt  }
0x5e: {  	_ =	shalt  }
0x5f: {  	_ =	shalt  }
0x60: {  	_ =	shalt  }
0x61: {  	_ =	shalt  }
0x62: {  	_ =	shalt  }
0x63: {  	_ =	shalt  }
0x64: {  	_ =	shalt  }
0x65: {  	_ =	shalt  }
0x66: {  	_ =	shalt  }
0x67: {  	_ =	shalt  }
0x68: {  	_ =	shalt  }
0x69: {  	_ =	shalt  }
0x6a: {  	_ =	shalt  }
0x6b: {  	_ =	shalt  }
0x6c: {  	_ =	shalt  }
0x6d: {  	_ =	shalt  }
0x6e: {  	_ =	shalt  }
0x6f: {  	_ =	shalt  }
0x70: {  	_ =	shalt  }
0x71: {  	_ =	shalt  }
0x72: {  	_ =	shalt  }
0x73: {  	_ =	shalt  }
0x74: {  	_ =	shalt  }
0x75: {  	_ =	shalt  }
0x76: {  	_ =	shalt  }
0x77: {  	_ =	shalt  }
0x78: {  	_ =	shalt  }
0x79: {  	_ =	shalt  }
0x7a: {  	_ =	shalt  }
0x7b: {  	_ =	shalt  }
0x7c: {  	_ =	shalt  }
0x7d: {  	_ =	shalt  }
0x7e: {  	_ =	shalt  }
0x7f: {  	_ =	shalt  }
0x80: {  	_ =	shalt  }
0x81: {  	_ =	shalt  }
0x82: {  	_ =	shalt  }
0x83: {  	_ =	shalt  }
0x84: {  	_ =	shalt  }
0x85: {  	_ =	shalt  }
0x86: {  	_ =	shalt  }
0x87: {  	_ =	shalt  }
.Lfunc_end0:
.L_simem_size_0:
called_computation.1_lowered:
.L_overlay_start_0:
0x88: {  	s2 =	sld [smem:$0x3FD9]  }
0x89: {  	s3 =	sld [smem:$0x3FFE];
	_ =	sdelay $0x1  }
0x8a: {  	s1 =	srdreg.scid  }
0x8b: {  	s0 =	sand.u32 $0x1, s1  }
0x8c: {  	s16 =	sshll.u32 s0, $0xA;
	s2 =	sadd.s32 s3, s2  }
0x8d: {  	s2 =	sadd.s32 s2, s16  }
0x8e: {  	[smem:$0x3FC2] =	sst s2  }
0x8f: {  	_ = 	snop  }
0x90: {  	(tm) =	ssettm $0x1  }
0x91: {  	s17 =	sld [smem:$0x3FFB];
	_ =	sdelay $0x3  }
0x92: {  	_ =	strace s17  }
0x93: {  	s2 =	sld [smem:$0x3FFC];
	_ =	sdelay $0x3  }
0x94: {  	_ =	strace s2  }
0x95: {  	s2 =	sld [smem:$0x3FFD];
	_ =	sdelay $0x3  }
0x96: {  	_ =	strace s2  }
0x97: {  	_ =	strace $0x8FFFFFFF  }
0x98: {  	s18 =	sld [smem:$0x3FDB];
	_ =	sdelay $0x1  }
0x99: {  	s19 =	simm.s32 $_scs_section_size  }
0x9a: {  	s4 =	simm.s32 $_size__tile_overlayer_lowered;
	s5 =	simm.s32 $_tile_overlayer_lowered  }
0x9b: {  	s22 =	simm.s32 $0x1BFF;
	s21 =	sshll.u32 s5, $0x1;
	s2 =	sadd.s32 s19, s18  }
0x9c: {  	s6 =	simm.s32 $0x0;
	s20 =	sshll.u32 s4, $0x1;
	s4 =	sadd.s32 s21, s2  }
0x9d: {  	[timem:s6], [sflag:s22] =	dma.local [hbm:s4], s20  }
0x9e: {  	_ =	swait.ge [sflag:s22], s20  }
0x9f: {  	s3 =	ssub.s32 $0x0, s20;
	[sflag:s22] =	ssyncset.done $0x0  }
0xa0: {  	[sflag:s22] =	ssyncadd.s32 s3;
	_ =	sdelay $0x1  }
0xa1: {  	s23 =	simm.s32 $0x1B8B  }
0xa2: {  	_ =	swait.ge [sflag:s23], $0x1  }
0xa3: {  	[sflag:s23] =	ssyncset.done $0x0  }
0xa4: {  	s25 =	simm.s32 $0x1B8E;
	s24 =	sld [smem:$0x3FFE];
	[sflag:s23] =	ssyncadd.s32 $0xFFFFFFFF  }
0xa5: {  	s26 =	simm.s32 $execute0_lowered;
	[smem:$0x3FD2] =	sst s25  }
0xa6: {  	s4 =	sshll.u32 s26, $0x1;
	_ =	strace $0x80000049;
	[dreg:$0x1] =	wrdreg $0xFFFFFFFF  }
0xa7: {  	s28 =	simm.s32 $_size_execute0_lowered;
	s2 =	sadd.s32 s2, s4;
	[dreg:$0x0] =	wrdreg $0x0  }
0xa8: {  	s4 =	sshll.u32 s28, $0x1;
	[dreg:$0x2] =	wrdreg s2  }
0xa9: {  	[dreg:$0x3] =	wrdreg s4  }
0xaa: {  	[dreg:$0x4] =	wrdreg $0xC0  }
0xab: {  	_ =	task [dreg:s6], $0x5FFFF  }
0xac: {  	[dreg:$0x1] =	wrdreg $0xFFFFFFFF  }
0xad: {  	[dreg:$0x0] =	wrdreg $0x60  }
0xae: {  	[dreg:$0x2] =	wrdreg s24  }
0xaf: {  	[dreg:$0x3] =	wrdreg $0xD0000  }
0xb0: {  	[dreg:$0x4] =	wrdreg $0x9  }
0xb1: {  	_ =	task.clear_ibuf [dreg:s6], $0x5FFFF;
	_ =	strace $0x90000049  }
0xb2: {  	s29 =	simm.s32 $0x9;
	_ =	strace $0x8000004B  }
0xb3: {  	_ =	swait.ge [sflag:s29], $0x1  }
0xb4: {  	[sflag:s29] =	ssyncadd.s32 $0xFFFFFFFF  }
0xb5: {  	_ =	strace $0x9000004B  }
0xb6: {  	_ =	sfence  }
0xb7: {  	s30 =	sld [smem:$0x0];
	_ =	sdelay $0x2  }
0xb8: {  	s31 =	sshll.u32 s1, $0xD;
	s1 =	sshrl.u32 s1, $0x2  }
0xb9: {  	s3 =	sand.u32 $0x4000, s31;
	s1 =	sadd.s32 s1, s30  }
0xba: {  	s0 =	sor.u32 s3, s0;
	s1 =	sshll.u32 s1, $0x11  }
0xbb: {  	s0 =	sor.u32 s1, s0  }
0xbc: {  	s0 =	sadd.s32 $0x8F2B, s0  }
0xbd: {  	[sflag:s0] =	ssyncadd.remote.s32 $0x1  }
0xbe: {  	_ =	sfence.sel $0xFFFF  }
0xbf: {  	[dreg:$0x0] =	wrdreg $0xFFFFFFFF;
	(pc) =	sbr.abs _section_cstart, $3  }
0xc0: {  	[dreg:$0x1] =	wrdreg $0xFFFFFFFF  }
0xc1: {  	_ =	task.clear_ibuf [dreg:s6], $0x2FFFF;
	_ =	strace $0x9FFFFFFF  }
0xc2: {  	(tm) =	ssettm $0x7FFFFFFF  }
0xc3: {  	_ =	shalt  }
tec
execute0_lowered:
.L_overlay_start_1:
0x0: {  	(tag) =	ssettag $0x1  }
0x1: {  	s0 =	srdreg.scid  }
0x2: {  	s31 =	stileid.u32;
	s5 =	rddreg [dreg:$0x0]  }
0x3: {  	s2 =	rddreg [dreg:$0x1];
	s22 =	simm.s32 $0x0;
	s30 =	simm.s32 $0x2800  }
0x4: {  	s9 =	simm.s32 $0x1;
	s24 =	simm.s32 $0x2C00;
	s12 =	simm.s32 $0x5000  }
0x5: {  	s25 =	simm.s32 $0x800;
	s11 =	simm.s32 $0x9000;
	s26 =	simm.s32 $0xC00  }
0x6: {  	s10 =	simm.s32 $0x4;
	s29 =	simm.s32 $0x3000;
	s28 =	simm.s32 $0x3400  }
0x7: {  	s17 =	simm.s32 $0x4400;
	p0 =	por $0x0, $0x0;
	s18 =	simm.s32 $0x2000  }
0x8: {  	s16 =	simm.s32 $0x2400;
	s15 =	simm.s32 $0x4800;
	s14 =	simm.s32 $0x4C00  }
0x9: {  	s13 =	simm.s32 $0x5;
	[smem:$0x7FF] =	sst s22;
	s7 =	sadd.s32 $0x15C00, s5  }
0xa: {  	s0 =	sand.u32 $0x1, s0;
	_ =	strace $0x8000004A;
	[dreg:$0x3] =	wrdreg s7  }
0xb: {  	s6 =	smul.u32 $0x2800, s31;
	s4 =	sadd.s32 $0x8E200, s5;
	[dreg:$0x8] =	wrdreg s24  }
0xc: {  	s1 =	sshll.u32 s0, $0x4;
	s3 =	smul.u32 $0x28000, s0;
	[dreg:$0x9] =	wrdreg s25  }
0xd: {  	s0 =	ssub.s32 $0x2, s0;
	s7 =	simm.s32 $0x2;
	[dreg:$0xa] =	wrdreg s26  }
0xe: {  	s26 =	simm.s32 $0x1000;
	s25 =	simm.s32 $0x1400;
	s1 =	sor.u32 s31, s1  }
0xf: {  	s24 =	simm.s32 $0x3800;
	s8 =	sshrl.u32 s0, $0x1;
	s1 =	smul.u32 $0x500, s1  }
0x10: {  	s3 =	sadd.s32 s6, s3;
	s0 =	ssub.s32 s0, s8;
	s6 =	sadd.s32 s6, s2  }
0x11: {  	s8 =	simm.s32 $0x400;
	s19 =	sshrl.u32 s3, $0x3;
	s3 =	sshll.u32 s31, $0x6  }
0x12: {  	s0 =	smax.u32 s0, $0x1;
	s1 =	sadd.s32 s1, s5;
	s5 =	sadd.s32 s19, s5  }
0x13: {  	s20 =	sor.u32 $0x1C01, s3;
	s19 =	simm.s32 $0x4000;
	p1 =	sne.s32 s0, $0x1  }
.Ltmp0:
0x14: {  	[dreg:$0x4] =	wrdreg s20;
	s21 =	sadd.s32 $0x1C00, s1;
	(pc) =	sbr.rel @!p1 .LBB2_5-.Ltmp0, $4  }
0x15: {  	s1 =	sadd.s32 $0xBC00, s1;
	s23 =	sadd.s32 $0x93200, s5;
	[dreg:$0x5] =	wrdreg s21  }
0x16: {  	s5 =	sshrl.u32 s6, $0x3;
	s6 =	simm.s32 $0x3;
	[dreg:$0x6] =	wrdreg s1  }
0x17: {  	s20 =	simm.s32 $0x1C00;
	[dreg:$0x7] =	wrdreg s23;
	s23 =	simm.s32 $0x3C00  }
0x18: {  	s21 =	simm.s32 $0x1800;
	s1 =	sadd.s32 $0xFFFFFFFF, s0;
	s0 =	rddreg [dreg:$0x3]  }
0x19: {  	s31 =	rddreg [dreg:$0x4]  }
0x1a: {  	[spmem:s5], [sflag:s31] =	dma.local [hbm:s0], $0x500  }
0x1b: {  	s0 =	rddreg [dreg:$0x5]  }
0x1c: {  	[tilespmem:s22], [sflag:$0x2] =	stream.linear.gather [hbm4b:s0+s22], $0x2800, $0x38;
	[tilespmem:$0xF800] =	vst v63  }
0x1d: {  	s31 =	rddreg [dreg:$0x6]  }
0x1e: {  	[tilespmem:s30], [sflag:$0x3] =	stream.linear.gather [hbm4b:s31+s22], $0x2800, $0x38;
	[tilespmem:$0xF800] =	vst v63  }
0x1f: {  	_ =	swait.ge [sflag:s9], $0x500  }
0x20: {  	[sflag:s9] =	ssyncset.done $0x0  }
0x21: {  	[sflag:s9] =	ssyncadd.s32 $0xFFFFFB00  }
0x22: {  	_ =	swait.ge [sflag:s7], $0x2800  }
0x23: {  	[sflag:s7] =	ssyncset.done $0x0  }
0x24: {  	[sflag:s7] =	ssyncadd.s32 $0xFFFFD800  }
0x25: {  	_ =	swait.ge [sflag:s6], $0x2800  }
0x26: {  	[sflag:s6] =	ssyncset.done $0x0  }
0x27: {  	[sflag:s6] =	ssyncadd.s32 $0xFFFFD800  }
0x28: {  	[bflag:$0x0] =	sbarrier.arrive $0xFFFF  }
0x29: {  	[tilespmem:s12], [sflag:$0x1] =	stream.indirect.gather [hbm4b:s4+s8], $0x10, s22, s8, $0xb8;
	[tilespmem:$0xF800] =	vst v63  }
0x2a: {  	_ = 	snop  }
0x2b: {  	[tilespmem:s11], [sflag:$0x2] =	stream.indirect.gather [hbm4b:s4+s8], $0x10, s8, s8, $0xb8;
	[tilespmem:$0xF800] =	vst v63  }
0x2c: {  	_ =	swait.ge [sflag:s9], $0x4000  }
0x2d: {  	[sflag:s9] =	ssyncset.done $0x0  }
0x2e: {  	[sflag:s9] =	ssyncadd.s32 $0xFFFFC000  }
0x2f: {  	[spmem:s2] =	stream.indirect.scatter.add.f32 [tilespmem:s12], [sflag:$0x3], $0x10, s30, s8, $0xb8;
	[tilespmem:$0xF800] =	vst v63  }
0x30: {  	_ =	swait.ge [sflag:s7], $0x4000  }
0x31: {  	[sflag:s7] =	ssyncset.done $0x0  }
0x32: {  	s0 =	rddreg [dreg:$0x8];
	[sflag:s7] =	ssyncadd.s32 $0xFFFFC000  }
0x33: {  	[spmem:s2] =	stream.indirect.scatter.add.f32 [tilespmem:s11], [sflag:$0x4], $0x10, s0, s8, $0xb8;
	[tilespmem:$0xF800] =	vst v63  }
0x34: {  	_ =	swait.ge [sflag:s6], $0x4000  }
0x35: {  	[sflag:s6] =	ssyncset.done $0x0  }
0x36: {  	s0 =	rddreg [dreg:$0x9];
	[sflag:s6] =	ssyncadd.s32 $0xFFFFC000  }
0x37: {  	[tilespmem:s12], [sflag:$0x1] =	stream.indirect.gather [hbm4b:s4+s8], $0x10, s0, s8, $0xb8;
	[tilespmem:$0xF800] =	vst v63  }
0x38: {  	_ =	swait.ge [sflag:s10], $0x4000  }
0x39: {  	[sflag:s10] =	ssyncset.done $0x0  }
0x3a: {  	s0 =	rddreg [dreg:$0xa];
	[sflag:s10] =	ssyncadd.s32 $0xFFFFC000  }
0x3b: {  	[tilespmem:s11], [sflag:$0x2] =	stream.indirect.gather [hbm4b:s4+s8], $0x10, s0, s8, $0xb8;
	[tilespmem:$0xF800] =	vst v63  }
0x3c: {  	_ =	swait.ge [sflag:s9], $0x4000  }
0x3d: {  	[sflag:s9] =	ssyncset.done $0x0  }
0x3e: {  	[sflag:s9] =	ssyncadd.s32 $0xFFFFC000  }
0x3f: {  	[spmem:s2] =	stream.indirect.scatter.add.f32 [tilespmem:s12], [sflag:$0x3], $0x10, s29, s8, $0xb8;
	[tilespmem:$0xF800] =	vst v63  }
0x40: {  	_ =	swait.ge [sflag:s7], $0x4000  }
0x41: {  	[sflag:s7] =	ssyncset.done $0x0  }
0x42: {  	[sflag:s7] =	ssyncadd.s32 $0xFFFFC000  }
0x43: {  	[spmem:s2] =	stream.indirect.scatter.add.f32 [tilespmem:s11], [sflag:$0x4], $0x10, s28, s8, $0xb8;
	[tilespmem:$0xF800] =	vst v63  }
0x44: {  	_ =	swait.ge [sflag:s6], $0x4000  }
0x45: {  	[sflag:s6] =	ssyncset.done $0x0  }
0x46: {  	[sflag:s6] =	ssyncadd.s32 $0xFFFFC000  }
0x47: {  	[tilespmem:s12], [sflag:$0x1] =	stream.indirect.gather [hbm4b:s4+s8], $0x10, s26, s8, $0xb8;
	[tilespmem:$0xF800] =	vst v63  }
0x48: {  	_ =	swait.ge [sflag:s10], $0x4000  }
0x49: {  	[sflag:s10] =	ssyncset.done $0x0  }
0x4a: {  	[sflag:s10] =	ssyncadd.s32 $0xFFFFC000  }
0x4b: {  	[tilespmem:s11], [sflag:$0x2] =	stream.indirect.gather [hbm4b:s4+s8], $0x10, s25, s8, $0xb8;
	[tilespmem:$0xF800] =	vst v63  }
0x4c: {  	_ =	swait.ge [sflag:s9], $0x4000  }
0x4d: {  	[sflag:s9] =	ssyncset.done $0x0  }
0x4e: {  	[sflag:s9] =	ssyncadd.s32 $0xFFFFC000  }
0x4f: {  	[spmem:s2] =	stream.indirect.scatter.add.f32 [tilespmem:s12], [sflag:$0x3], $0x10, s24, s8, $0xb8;
	[tilespmem:$0xF800] =	vst v63  }
0x50: {  	_ =	swait.ge [sflag:s7], $0x4000  }
0x51: {  	[sflag:s7] =	ssyncset.done $0x0  }
0x52: {  	[sflag:s7] =	ssyncadd.s32 $0xFFFFC000  }
0x53: {  	[spmem:s2] =	stream.indirect.scatter.add.f32 [tilespmem:s11], [sflag:$0x4], $0x10, s23, s8, $0xb8;
	[tilespmem:$0xF800] =	vst v63  }
0x54: {  	_ =	swait.ge [sflag:s6], $0x4000  }
0x55: {  	[sflag:s6] =	ssyncset.done $0x0  }
0x56: {  	[sflag:s6] =	ssyncadd.s32 $0xFFFFC000  }
0x57: {  	[tilespmem:s12], [sflag:$0x1] =	stream.indirect.gather [hbm4b:s4+s8], $0x10, s21, s8, $0xb8;
	[tilespmem:$0xF800] =	vst v63  }
0x58: {  	_ =	swait.ge [sflag:s10], $0x4000  }
0x59: {  	[sflag:s10] =	ssyncset.done $0x0  }
0x5a: {  	[sflag:s10] =	ssyncadd.s32 $0xFFFFC000  }
0x5b: {  	[tilespmem:s11], [sflag:$0x2] =	stream.indirect.gather [hbm4b:s4+s8], $0x10, s20, s8, $0xb8;
	[tilespmem:$0xF800] =	vst v63  }
0x5c: {  	_ =	swait.ge [sflag:s9], $0x4000  }
0x5d: {  	[sflag:s9] =	ssyncset.done $0x0  }
0x5e: {  	[sflag:s9] =	ssyncadd.s32 $0xFFFFC000  }
0x5f: {  	[spmem:s2] =	stream.indirect.scatter.add.f32 [tilespmem:s12], [sflag:$0x3], $0x10, s19, s8, $0xb8;
	[tilespmem:$0xF800] =	vst v63  }
0x60: {  	_ =	swait.ge [sflag:s7], $0x4000  }
0x61: {  	[sflag:s7] =	ssyncset.done $0x0  }
0x62: {  	[sflag:s7] =	ssyncadd.s32 $0xFFFFC000  }
0x63: {  	[spmem:s2] =	stream.indirect.scatter.add.f32 [tilespmem:s11], [sflag:$0x4], $0x10, s17, s8, $0xb8;
	[tilespmem:$0xF800] =	vst v63  }
0x64: {  	_ =	swait.ge [sflag:s6], $0x4000  }
0x65: {  	[sflag:s6] =	ssyncset.done $0x0  }
0x66: {  	[sflag:s6] =	ssyncadd.s32 $0xFFFFC000  }
0x67: {  	[tilespmem:s12], [sflag:$0x1] =	stream.indirect.gather [hbm4b:s4+s8], $0x10, s18, s8, $0xb8;
	[tilespmem:$0xF800] =	vst v63  }
0x68: {  	_ =	swait.ge [sflag:s10], $0x4000  }
0x69: {  	[sflag:s10] =	ssyncset.done $0x0  }
0x6a: {  	[sflag:s10] =	ssyncadd.s32 $0xFFFFC000  }
0x6b: {  	[tilespmem:s11], [sflag:$0x2] =	stream.indirect.gather [hbm4b:s4+s8], $0x10, s16, s8, $0xb8;
	[tilespmem:$0xF800] =	vst v63  }
0x6c: {  	_ =	swait.ge [sflag:s9], $0x4000  }
0x6d: {  	[sflag:s9] =	ssyncset.done $0x0  }
0x6e: {  	[sflag:s9] =	ssyncadd.s32 $0xFFFFC000  }
0x6f: {  	[spmem:s2] =	stream.indirect.scatter.add.f32 [tilespmem:s12], [sflag:$0x3], $0x10, s15, s8, $0xb8;
	[tilespmem:$0xF800] =	vst v63  }
0x70: {  	_ =	swait.ge [sflag:s7], $0x4000  }
0x71: {  	[sflag:s7] =	ssyncset.done $0x0  }
0x72: {  	[sflag:s7] =	ssyncadd.s32 $0xFFFFC000  }
0x73: {  	[spmem:s2] =	stream.indirect.scatter.add.f32 [tilespmem:s11], [sflag:$0x4], $0x10, s14, s8, $0xb8;
	[tilespmem:$0xF800] =	vst v63  }
0x74: {  	_ =	swait.ge [sflag:s6], $0x4000  }
0x75: {  	[sflag:s6] =	ssyncset.done $0x0  }
0x76: {  	[sflag:s6] =	ssyncadd.s32 $0xFFFFC000  }
0x77: {  	_ =	swait.ge [sflag:s10], $0x4000  }
0x78: {  	[sflag:s10] =	ssyncset.done $0x0  }
0x79: {  	[sflag:s10] =	ssyncadd.s32 $0xFFFFC000  }
0x7a: {  	p1 =	sne.s32 s1, $0x1;
	[bflag:$0x0] =	sbarrier.arrive $0xFFFF  }
.Ltmp1:
0x7b: {  	s0 =	rddreg [dreg:$0x7];
	(pc) =	sbr.rel @!p1 .LBB2_2-.Ltmp1, $4  }
0x7c: {  	s31 =	sor.u32 $0x1C05, s3;
	[dreg:$0xb] =	wrdreg s3  }
0x7d: {  	[hbm:s0], [sflag:s31] =	dma.local [spmem:s5], $0x500  }
0x7e: {  	s1 =	sadd.s32 $0xFFFFFFFF, s1;
	_ =	swait.ge [sflag:s13], $0x500  }
0x7f: {  	p0 =	por $0x1, $0x1;
	s0 =	rddreg [dreg:$0x3];
	[sflag:s13] =	ssyncset.done $0x0  }
.LBB2_3:
0x80: {  	s3 =	rddreg [dreg:$0x4];
	[sflag:s13] =	ssyncadd.s32 $0xFFFFFB00  }
0x81: {  	[spmem:s5], [sflag:s3] =	dma.local [hbm:s0], $0x500  }
0x82: {  	s0 =	rddreg [dreg:$0x5]  }
0x83: {  	[tilespmem:s22], [sflag:$0x2] =	stream.linear.gather [hbm4b:s0+s22], $0x2800, $0x38;
	[tilespmem:$0xF800] =	vst v63  }
0x84: {  	s3 =	rddreg [dreg:$0x6]  }
0x85: {  	[tilespmem:s30], [sflag:$0x3] =	stream.linear.gather [hbm4b:s3+s22], $0x2800, $0x38;
	[tilespmem:$0xF800] =	vst v63  }
0x86: {  	_ =	swait.ge [sflag:s9], $0x500  }
0x87: {  	[sflag:s9] =	ssyncset.done $0x0  }
0x88: {  	[sflag:s9] =	ssyncadd.s32 $0xFFFFFB00  }
0x89: {  	_ =	swait.ge [sflag:s7], $0x2800  }
0x8a: {  	[sflag:s7] =	ssyncset.done $0x0  }
0x8b: {  	[sflag:s7] =	ssyncadd.s32 $0xFFFFD800  }
0x8c: {  	_ =	swait.ge [sflag:s6], $0x2800  }
0x8d: {  	[sflag:s6] =	ssyncset.done $0x0  }
0x8e: {  	[sflag:s6] =	ssyncadd.s32 $0xFFFFD800  }
0x8f: {  	[bflag:$0x0] =	sbarrier.arrive $0xFFFF  }
0x90: {  	[tilespmem:s12], [sflag:$0x1] =	stream.indirect.gather [hbm4b:s4+s8], $0x10, s22, s8, $0xb8;
	[tilespmem:$0xF800] =	vst v63  }
0x91: {  	_ = 	snop  }
0x92: {  	[tilespmem:s11], [sflag:$0x2] =	stream.indirect.gather [hbm4b:s4+s8], $0x10, s8, s8, $0xb8;
	[tilespmem:$0xF800] =	vst v63  }
0x93: {  	_ =	swait.ge [sflag:s9], $0x4000  }
0x94: {  	[sflag:s9] =	ssyncset.done $0x0  }
0x95: {  	[sflag:s9] =	ssyncadd.s32 $0xFFFFC000  }
0x96: {  	[spmem:s2] =	stream.indirect.scatter.add.f32 [tilespmem:s12], [sflag:$0x3], $0x10, s30, s8, $0xb8;
	[tilespmem:$0xF800] =	vst v63  }
0x97: {  	_ =	swait.ge [sflag:s7], $0x4000  }
0x98: {  	[sflag:s7] =	ssyncset.done $0x0  }
0x99: {  	s3 =	rddreg [dreg:$0x8];
	[sflag:s7] =	ssyncadd.s32 $0xFFFFC000  }
0x9a: {  	[spmem:s2] =	stream.indirect.scatter.add.f32 [tilespmem:s11], [sflag:$0x4], $0x10, s3, s8, $0xb8;
	[tilespmem:$0xF800] =	vst v63  }
0x9b: {  	_ =	swait.ge [sflag:s6], $0x4000  }
0x9c: {  	[sflag:s6] =	ssyncset.done $0x0  }
0x9d: {  	s3 =	rddreg [dreg:$0x9];
	[sflag:s6] =	ssyncadd.s32 $0xFFFFC000  }
0x9e: {  	[tilespmem:s12], [sflag:$0x1] =	stream.indirect.gather [hbm4b:s4+s8], $0x10, s3, s8, $0xb8;
	[tilespmem:$0xF800] =	vst v63  }
0x9f: {  	_ =	swait.ge [sflag:s10], $0x4000  }
0xa0: {  	[sflag:s10] =	ssyncset.done $0x0  }
0xa1: {  	s3 =	rddreg [dreg:$0xa];
	[sflag:s10] =	ssyncadd.s32 $0xFFFFC000  }
0xa2: {  	[tilespmem:s11], [sflag:$0x2] =	stream.indirect.gather [hbm4b:s4+s8], $0x10, s3, s8, $0xb8;
	[tilespmem:$0xF800] =	vst v63  }
0xa3: {  	_ =	swait.ge [sflag:s9], $0x4000  }
0xa4: {  	[sflag:s9] =	ssyncset.done $0x0  }
0xa5: {  	[sflag:s9] =	ssyncadd.s32 $0xFFFFC000  }
0xa6: {  	[spmem:s2] =	stream.indirect.scatter.add.f32 [tilespmem:s12], [sflag:$0x3], $0x10, s29, s8, $0xb8;
	[tilespmem:$0xF800] =	vst v63  }
0xa7: {  	_ =	swait.ge [sflag:s7], $0x4000  }
0xa8: {  	[sflag:s7] =	ssyncset.done $0x0  }
0xa9: {  	[sflag:s7] =	ssyncadd.s32 $0xFFFFC000  }
0xaa: {  	[spmem:s2] =	stream.indirect.scatter.add.f32 [tilespmem:s11], [sflag:$0x4], $0x10, s28, s8, $0xb8;
	[tilespmem:$0xF800] =	vst v63  }
0xab: {  	_ =	swait.ge [sflag:s6], $0x4000  }
0xac: {  	[sflag:s6] =	ssyncset.done $0x0  }
0xad: {  	[sflag:s6] =	ssyncadd.s32 $0xFFFFC000  }
0xae: {  	[tilespmem:s12], [sflag:$0x1] =	stream.indirect.gather [hbm4b:s4+s8], $0x10, s26, s8, $0xb8;
	[tilespmem:$0xF800] =	vst v63  }
0xaf: {  	_ =	swait.ge [sflag:s10], $0x4000  }
0xb0: {  	[sflag:s10] =	ssyncset.done $0x0  }
0xb1: {  	[sflag:s10] =	ssyncadd.s32 $0xFFFFC000  }
0xb2: {  	[tilespmem:s11], [sflag:$0x2] =	stream.indirect.gather [hbm4b:s4+s8], $0x10, s25, s8, $0xb8;
	[tilespmem:$0xF800] =	vst v63  }
0xb3: {  	_ =	swait.ge [sflag:s9], $0x4000  }
0xb4: {  	[sflag:s9] =	ssyncset.done $0x0  }
0xb5: {  	[sflag:s9] =	ssyncadd.s32 $0xFFFFC000  }
0xb6: {  	[spmem:s2] =	stream.indirect.scatter.add.f32 [tilespmem:s12], [sflag:$0x3], $0x10, s24, s8, $0xb8;
	[tilespmem:$0xF800] =	vst v63  }
0xb7: {  	_ =	swait.ge [sflag:s7], $0x4000  }
0xb8: {  	[sflag:s7] =	ssyncset.done $0x0  }
0xb9: {  	[sflag:s7] =	ssyncadd.s32 $0xFFFFC000  }
0xba: {  	[spmem:s2] =	stream.indirect.scatter.add.f32 [tilespmem:s11], [sflag:$0x4], $0x10, s23, s8, $0xb8;
	[tilespmem:$0xF800] =	vst v63  }
0xbb: {  	_ =	swait.ge [sflag:s6], $0x4000  }
0xbc: {  	[sflag:s6] =	ssyncset.done $0x0  }
0xbd: {  	[sflag:s6] =	ssyncadd.s32 $0xFFFFC000  }
0xbe: {  	[tilespmem:s12], [sflag:$0x1] =	stream.indirect.gather [hbm4b:s4+s8], $0x10, s21, s8, $0xb8;
	[tilespmem:$0xF800] =	vst v63  }
0xbf: {  	_ =	swait.ge [sflag:s10], $0x4000  }
0xc0: {  	[sflag:s10] =	ssyncset.done $0x0  }
0xc1: {  	[sflag:s10] =	ssyncadd.s32 $0xFFFFC000  }
0xc2: {  	[tilespmem:s11], [sflag:$0x2] =	stream.indirect.gather [hbm4b:s4+s8], $0x10, s20, s8, $0xb8;
	[tilespmem:$0xF800] =	vst v63  }
0xc3: {  	_ =	swait.ge [sflag:s9], $0x4000  }
0xc4: {  	[sflag:s9] =	ssyncset.done $0x0  }
0xc5: {  	[sflag:s9] =	ssyncadd.s32 $0xFFFFC000  }
0xc6: {  	[spmem:s2] =	stream.indirect.scatter.add.f32 [tilespmem:s12], [sflag:$0x3], $0x10, s19, s8, $0xb8;
	[tilespmem:$0xF800] =	vst v63  }
0xc7: {  	_ =	swait.ge [sflag:s7], $0x4000  }
0xc8: {  	[sflag:s7] =	ssyncset.done $0x0  }
0xc9: {  	[sflag:s7] =	ssyncadd.s32 $0xFFFFC000  }
0xca: {  	[spmem:s2] =	stream.indirect.scatter.add.f32 [tilespmem:s11], [sflag:$0x4], $0x10, s17, s8, $0xb8;
	[tilespmem:$0xF800] =	vst v63  }
0xcb: {  	_ =	swait.ge [sflag:s6], $0x4000  }
0xcc: {  	[sflag:s6] =	ssyncset.done $0x0  }
0xcd: {  	[sflag:s6] =	ssyncadd.s32 $0xFFFFC000  }
0xce: {  	[tilespmem:s12], [sflag:$0x1] =	stream.indirect.gather [hbm4b:s4+s8], $0x10, s18, s8, $0xb8;
	[tilespmem:$0xF800] =	vst v63  }
0xcf: {  	_ =	swait.ge [sflag:s10], $0x4000  }
0xd0: {  	[sflag:s10] =	ssyncset.done $0x0  }
0xd1: {  	[sflag:s10] =	ssyncadd.s32 $0xFFFFC000  }
0xd2: {  	[tilespmem:s11], [sflag:$0x2] =	stream.indirect.gather [hbm4b:s4+s8], $0x10, s16, s8, $0xb8;
	[tilespmem:$0xF800] =	vst v63  }
0xd3: {  	_ =	swait.ge [sflag:s9], $0x4000  }
0xd4: {  	[sflag:s9] =	ssyncset.done $0x0  }
0xd5: {  	[sflag:s9] =	ssyncadd.s32 $0xFFFFC000  }
0xd6: {  	[spmem:s2] =	stream.indirect.scatter.add.f32 [tilespmem:s12], [sflag:$0x3], $0x10, s15, s8, $0xb8;
	[tilespmem:$0xF800] =	vst v63  }
0xd7: {  	_ =	swait.ge [sflag:s7], $0x4000  }
0xd8: {  	[sflag:s7] =	ssyncset.done $0x0  }
0xd9: {  	[sflag:s7] =	ssyncadd.s32 $0xFFFFC000  }
0xda: {  	[spmem:s2] =	stream.indirect.scatter.add.f32 [tilespmem:s11], [sflag:$0x4], $0x10, s14, s8, $0xb8;
	[tilespmem:$0xF800] =	vst v63  }
0xdb: {  	_ =	swait.ge [sflag:s6], $0x4000  }
0xdc: {  	[sflag:s6] =	ssyncset.done $0x0  }
0xdd: {  	[sflag:s6] =	ssyncadd.s32 $0xFFFFC000  }
0xde: {  	_ =	swait.ge [sflag:s10], $0x4000  }
0xdf: {  	[sflag:s10] =	ssyncset.done $0x0  }
0xe0: {  	p1 =	sne.s32 s1, $0x1;
	[sflag:s10] =	ssyncadd.s32 $0xFFFFC000  }
.Ltmp2:
0xe1: {  	[bflag:$0x0] =	sbarrier.arrive $0xFFFF;
	(pc) =	sbr.rel @p1 .LBB2_3-.Ltmp2, $4  }
0xe2: {  	s3 =	rddreg [dreg:$0x7]  }
0xe3: {  	[hbm:s3], [sflag:s31] =	dma.local [spmem:s5], $0x500  }
0xe4: {  	_ =	swait.ge [sflag:s13], $0x500  }
0xe5: {  	s1 =	sadd.s32 $0xFFFFFFFF, s1;
	s0 =	rddreg [dreg:$0x3];
	[sflag:s13] =	ssyncset.done $0x0  }
0xe6: {  	s31 =	stileid.u32;
	s3 =	rddreg [dreg:$0xb]  }
.LBB2_5:
0xe7: {  	s1 =	rddreg [dreg:$0x4];
	[sflag:s13] =	ssyncadd.s32 @p0 $0xFFFFFB00  }
0xe8: {  	[spmem:s5], [sflag:s1] =	dma.local [hbm:s0], $0x500  }
0xe9: {  	s0 =	rddreg [dreg:$0x5]  }
0xea: {  	[tilespmem:s22], [sflag:$0x2] =	stream.linear.gather [hbm4b:s0+s22], $0x2800, $0x38;
	[tilespmem:$0xF800] =	vst v63  }
0xeb: {  	s1 =	rddreg [dreg:$0x6]  }
0xec: {  	[tilespmem:s30], [sflag:$0x3] =	stream.linear.gather [hbm4b:s1+s22], $0x2800, $0x38;
	[tilespmem:$0xF800] =	vst v63  }
0xed: {  	_ =	swait.ge [sflag:s9], $0x500  }
0xee: {  	[sflag:s9] =	ssyncset.done $0x0  }
0xef: {  	[sflag:s9] =	ssyncadd.s32 $0xFFFFFB00  }
0xf0: {  	_ =	swait.ge [sflag:s7], $0x2800  }
0xf1: {  	[sflag:s7] =	ssyncset.done $0x0  }
0xf2: {  	[sflag:s7] =	ssyncadd.s32 $0xFFFFD800  }
0xf3: {  	_ =	swait.ge [sflag:s6], $0x2800  }
0xf4: {  	[sflag:s6] =	ssyncset.done $0x0  }
0xf5: {  	[sflag:s6] =	ssyncadd.s32 $0xFFFFD800  }
0xf6: {  	[bflag:$0x0] =	sbarrier.arrive $0xFFFF  }
0xf7: {  	[tilespmem:s12], [sflag:$0x1] =	stream.indirect.gather [hbm4b:s4+s8], $0x10, s22, s8, $0xb8;
	[tilespmem:$0xF800] =	vst v63  }
0xf8: {  	_ = 	snop  }
0xf9: {  	[tilespmem:s11], [sflag:$0x2] =	stream.indirect.gather [hbm4b:s4+s8], $0x10, s8, s8, $0xb8;
	[tilespmem:$0xF800] =	vst v63  }
0xfa: {  	_ =	swait.ge [sflag:s9], $0x4000  }
0xfb: {  	[sflag:s9] =	ssyncset.done $0x0  }
0xfc: {  	[sflag:s9] =	ssyncadd.s32 $0xFFFFC000  }
0xfd: {  	[spmem:s2] =	stream.indirect.scatter.add.f32 [tilespmem:s12], [sflag:$0x3], $0x10, s30, s8, $0xb8;
	[tilespmem:$0xF800] =	vst v63  }
0xfe: {  	_ =	swait.ge [sflag:s7], $0x4000  }
0xff: {  	[sflag:s7] =	ssyncset.done $0x0  }
0x100: {  	s30 =	rddreg [dreg:$0x8];
	[sflag:s7] =	ssyncadd.s32 $0xFFFFC000  }
0x101: {  	[spmem:s2] =	stream.indirect.scatter.add.f32 [tilespmem:s11], [sflag:$0x4], $0x10, s30, s8, $0xb8;
	[tilespmem:$0xF800] =	vst v63  }
0x102: {  	_ =	swait.ge [sflag:s6], $0x4000  }
0x103: {  	[sflag:s6] =	ssyncset.done $0x0  }
0x104: {  	s1 =	rddreg [dreg:$0x9];
	[sflag:s6] =	ssyncadd.s32 $0xFFFFC000  }
0x105: {  	[tilespmem:s12], [sflag:$0x1] =	stream.indirect.gather [hbm4b:s4+s8], $0x10, s1, s8, $0xb8;
	[tilespmem:$0xF800] =	vst v63  }
0x106: {  	_ =	swait.ge [sflag:s10], $0x4000  }
0x107: {  	[sflag:s10] =	ssyncset.done $0x0  }
0x108: {  	s22 =	rddreg [dreg:$0xa];
	[sflag:s10] =	ssyncadd.s32 $0xFFFFC000  }
0x109: {  	[tilespmem:s11], [sflag:$0x2] =	stream.indirect.gather [hbm4b:s4+s8], $0x10, s22, s8, $0xb8;
	[tilespmem:$0xF800] =	vst v63  }
0x10a: {  	_ =	swait.ge [sflag:s9], $0x4000  }
0x10b: {  	[sflag:s9] =	ssyncset.done $0x0  }
0x10c: {  	[sflag:s9] =	ssyncadd.s32 $0xFFFFC000  }
0x10d: {  	[spmem:s2] =	stream.indirect.scatter.add.f32 [tilespmem:s12], [sflag:$0x3], $0x10, s29, s8, $0xb8;
	[tilespmem:$0xF800] =	vst v63  }
0x10e: {  	_ =	swait.ge [sflag:s7], $0x4000  }
0x10f: {  	[sflag:s7] =	ssyncset.done $0x0  }
0x110: {  	[sflag:s7] =	ssyncadd.s32 $0xFFFFC000  }
0x111: {  	[spmem:s2] =	stream.indirect.scatter.add.f32 [tilespmem:s11], [sflag:$0x4], $0x10, s28, s8, $0xb8;
	[tilespmem:$0xF800] =	vst v63  }
0x112: {  	_ =	swait.ge [sflag:s6], $0x4000  }
0x113: {  	[sflag:s6] =	ssyncset.done $0x0  }
0x114: {  	[sflag:s6] =	ssyncadd.s32 $0xFFFFC000  }
0x115: {  	[tilespmem:s12], [sflag:$0x1] =	stream.indirect.gather [hbm4b:s4+s8], $0x10, s26, s8, $0xb8;
	[tilespmem:$0xF800] =	vst v63  }
0x116: {  	_ =	swait.ge [sflag:s10], $0x4000  }
0x117: {  	[sflag:s10] =	ssyncset.done $0x0  }
0x118: {  	[sflag:s10] =	ssyncadd.s32 $0xFFFFC000  }
0x119: {  	[tilespmem:s11], [sflag:$0x2] =	stream.indirect.gather [hbm4b:s4+s8], $0x10, s25, s8, $0xb8;
	[tilespmem:$0xF800] =	vst v63  }
0x11a: {  	_ =	swait.ge [sflag:s9], $0x4000  }
0x11b: {  	[sflag:s9] =	ssyncset.done $0x0  }
0x11c: {  	[sflag:s9] =	ssyncadd.s32 $0xFFFFC000  }
0x11d: {  	[spmem:s2] =	stream.indirect.scatter.add.f32 [tilespmem:s12], [sflag:$0x3], $0x10, s24, s8, $0xb8;
	[tilespmem:$0xF800] =	vst v63  }
0x11e: {  	_ =	swait.ge [sflag:s7], $0x4000  }
0x11f: {  	[sflag:s7] =	ssyncset.done $0x0  }
0x120: {  	[sflag:s7] =	ssyncadd.s32 $0xFFFFC000  }
0x121: {  	[spmem:s2] =	stream.indirect.scatter.add.f32 [tilespmem:s11], [sflag:$0x4], $0x10, s23, s8, $0xb8;
	[tilespmem:$0xF800] =	vst v63  }
0x122: {  	_ =	swait.ge [sflag:s6], $0x4000  }
0x123: {  	[sflag:s6] =	ssyncset.done $0x0  }
0x124: {  	[sflag:s6] =	ssyncadd.s32 $0xFFFFC000  }
0x125: {  	[tilespmem:s12], [sflag:$0x1] =	stream.indirect.gather [hbm4b:s4+s8], $0x10, s21, s8, $0xb8;
	[tilespmem:$0xF800] =	vst v63  }
0x126: {  	_ =	swait.ge [sflag:s10], $0x4000  }
0x127: {  	[sflag:s10] =	ssyncset.done $0x0  }
0x128: {  	[sflag:s10] =	ssyncadd.s32 $0xFFFFC000  }
0x129: {  	[tilespmem:s11], [sflag:$0x2] =	stream.indirect.gather [hbm4b:s4+s8], $0x10, s20, s8, $0xb8;
	[tilespmem:$0xF800] =	vst v63  }
0x12a: {  	_ =	swait.ge [sflag:s9], $0x4000  }
0x12b: {  	[sflag:s9] =	ssyncset.done $0x0  }
0x12c: {  	[sflag:s9] =	ssyncadd.s32 $0xFFFFC000  }
0x12d: {  	[spmem:s2] =	stream.indirect.scatter.add.f32 [tilespmem:s12], [sflag:$0x3], $0x10, s19, s8, $0xb8;
	[tilespmem:$0xF800] =	vst v63  }
0x12e: {  	_ =	swait.ge [sflag:s7], $0x4000  }
0x12f: {  	[sflag:s7] =	ssyncset.done $0x0  }
0x130: {  	[sflag:s7] =	ssyncadd.s32 $0xFFFFC000  }
0x131: {  	[spmem:s2] =	stream.indirect.scatter.add.f32 [tilespmem:s11], [sflag:$0x4], $0x10, s17, s8, $0xb8;
	[tilespmem:$0xF800] =	vst v63  }
0x132: {  	_ =	swait.ge [sflag:s6], $0x4000  }
0x133: {  	[sflag:s6] =	ssyncset.done $0x0  }
0x134: {  	[sflag:s6] =	ssyncadd.s32 $0xFFFFC000  }
0x135: {  	[tilespmem:s12], [sflag:$0x1] =	stream.indirect.gather [hbm4b:s4+s8], $0x10, s18, s8, $0xb8;
	[tilespmem:$0xF800] =	vst v63  }
0x136: {  	_ =	swait.ge [sflag:s10], $0x4000  }
0x137: {  	[sflag:s10] =	ssyncset.done $0x0  }
0x138: {  	[sflag:s10] =	ssyncadd.s32 $0xFFFFC000  }
0x139: {  	[tilespmem:s11], [sflag:$0x2] =	stream.indirect.gather [hbm4b:s4+s8], $0x10, s16, s8, $0xb8;
	[tilespmem:$0xF800] =	vst v63  }
0x13a: {  	_ =	swait.ge [sflag:s9], $0x4000  }
0x13b: {  	[sflag:s9] =	ssyncset.done $0x0  }
0x13c: {  	[sflag:s9] =	ssyncadd.s32 $0xFFFFC000  }
0x13d: {  	[spmem:s2] =	stream.indirect.scatter.add.f32 [tilespmem:s12], [sflag:$0x3], $0x10, s15, s8, $0xb8;
	[tilespmem:$0xF800] =	vst v63  }
0x13e: {  	_ =	swait.ge [sflag:s7], $0x4000  }
0x13f: {  	[sflag:s7] =	ssyncset.done $0x0  }
0x140: {  	[sflag:s7] =	ssyncadd.s32 $0xFFFFC000  }
0x141: {  	[spmem:s2] =	stream.indirect.scatter.add.f32 [tilespmem:s11], [sflag:$0x4], $0x10, s14, s8, $0xb8;
	[tilespmem:$0xF800] =	vst v63  }
0x142: {  	_ =	swait.ge [sflag:s6], $0x4000  }
0x143: {  	[sflag:s6] =	ssyncset.done $0x0  }
0x144: {  	[sflag:s6] =	ssyncadd.s32 $0xFFFFC000  }
0x145: {  	_ =	swait.ge [sflag:s10], $0x4000  }
0x146: {  	[sflag:s10] =	ssyncset.done $0x0  }
0x147: {  	[sflag:s10] =	ssyncadd.s32 $0xFFFFC000  }
0x148: {  	[bflag:$0x0] =	sbarrier.arrive $0xFFFF  }
0x149: {  	s30 =	sor.u32 $0x1C05, s3;
	s29 =	rddreg [dreg:$0x7]  }
0x14a: {  	[hbm:s29], [sflag:s30] =	dma.local [spmem:s5], $0x500  }
0x14b: {  	_ =	swait.ge [sflag:s13], $0x500  }
0x14c: {  	[sflag:s13] =	ssyncset.done $0x0  }
0x14d: {  	[sflag:s13] =	ssyncadd.s32 $0xFFFFFB00  }
0x14e: {  	_ =	sfence.sel $0x180000  }
0x14f: {  	[bflag:$0x0] =	sbarrier.arrive $0xFFFF  }
0x150: {  	_ =	strace $0x9000004A  }
0x151: {  	[bflag:$0x2] =	sbarrier.arrive $0xFFFF  }
0x152: {  	p0 =	sne.s32 s31, $0x0;
	s0 =	rddreg [dreg:$0x2]  }
0x153: {  	s0 =	sadd.s32 @!p0 $0x100000, s0  }
0x154: {  	[sflag:s0] =	ssyncadd.tile.s32 @!p0 $0x1;
	_ =	shalt  }
.LBB2_2:
.Ltmp3:
0x155: {  	(pc) =	sbr.rel .LBB2_5-.Ltmp3, $2  }
0x156: {  	_ =	sdelay $0x2  }
0x157: {  	s31 =	stileid.u32;
	s3 =	rddreg [dreg:$0xb]  }
.Lfunc_end2:
_tile_overlayer_lowered:
.L_overlay_start_2:
0x158: {  	(tag) =	ssettag $0x2  }
0x159: {  	s0 =	rddreg [dreg:$0x0];
	s2 =	stileid.u32  }
0x15a: {  	s1 =	rddreg [dreg:$0x1];
	p0 =	sne.s32 s2, $0x0  }
0x15b: {  	s3 =	rddreg [dreg:$0x2];
	[bflag:$0x3] =	sbarrier.arrive $0xFFFF;
	s2 =	simm.s32 @!p0 $0x1C05  }
0x15c: {  	[timem:s3], [sflag:s2] =	dma.local @!p0 [hbm:s0], s1  }
0x15d: {  	s0 =	simm.s32 @!p0 $0x5  }
0x15e: {  	_ =	swait.ge @!p0 [sflag:s0], s1  }
0x15f: {  	s1 =	ssub.s32 @!p0 $0x0, s1;
	[sflag:s0] =	ssyncset.done @!p0 $0x0  }
0x160: {  	[sflag:s0] =	ssyncadd.s32 @!p0 s1  }
0x161: {  	[bflag:$0x3] =	sbarrier.arrive $0xFFFF  }
0x162: {  	_ =	shalt  }

// kernel: kernel.14.cloned.1.call-start
scs
__scs_entry_jumppad:
0x0: {  	(pc) =	sbr.rel $0x88, $3  }
0x1: {  	(tag) =	ssettag $0x0;
	lr =	simm.s32 $0x1  }
0x2: {  	[smem:$0x3F9B] =	sst lr;
	_ =	strace $0xD0000000  }
0x3: {  	_ = 	snop  }
0x4: {  	_ = 	snop  }
0x5: {  	_ = 	snop  }
0x6: {  	_ = 	snop  }
0x7: {  	_ = 	snop  }
__scs_overlays_trampoline_lowered:
0x8: {  	[smem:$0x3FAA] =	sst s0  }
0x9: {  	[smem:$0x3FAB] =	sst s1  }
0xa: {  	[smem:$0x3FAC] =	sst s2  }
0xb: {  	[smem:$0x3FAD] =	sst s3  }
0xc: {  	[smem:$0x3FAE] =	sst s4  }
0xd: {  	[smem:$0x3FAF] =	sst s5  }
0xe: {  	[smem:$0x3FB0] =	sst s6  }
0xf: {  	[smem:$0x3FB1] =	sst s7  }
0x10: {  	[smem:$0x3FB2] =	sst s8  }
0x11: {  	[smem:$0x3FB3] =	sst s9;
	s0 =	simm.s32 @!p0 $0x0  }
0x12: {  	s1 =	sld [smem:$0x3F99];
	s0 =	simm.s32 @p0 $0x1  }
0x13: {  	[smem:$0x3FB4] =	sst s0;
	s0 =	simm.s32 @!p1 $0x0  }
0x14: {  	s2 =	sld [smem:$0x3F98];
	s0 =	simm.s32 @p1 $0x1  }
0x15: {  	[smem:$0x3FB5] =	sst s0;
	s0 =	simm.s32 @!p2 $0x0  }
0x16: {  	s3 =	sld [smem:$0x3FDB];
	s0 =	simm.s32 @p2 $0x1  }
0x17: {  	s4 =	simm.s32 $0x1BF5;
	[smem:$0x3FB7] =	sst s0  }
0x18: {  	s0 =	sld [smem:$0x3F9A];
	_ =	swait.ge [sflag:s4], $0x0  }
0x19: {  	s7 =	sld [smem:$0x3F9B]  }
0x1a: {  	s8 =	sadd.s32 $0xFFFFE003, lr  }
0x1b: {  	s9 =	sadd.s32 $0xFFFFFEF7, lr;
	s5 =	simm.s32 $0xFFFFFFFF;
	p2 =	slt.u32 s8, $0xFFFFF086  }
0x1c: {  	p1 =	slt.u32 s9, $0xF7A;
	s5 =	simm.s32 @!p2 $0x0  }
0x1d: {  	s5 =	simm.s32 @p1 $0x1;
	p0 =	seq.s32 s7, s2  }
0x1e: {  	s7 =	smul.u32 @!p0 $0xF7A, s2;
	p2 =	seq.s32 @!p0 s5, $0x0  }
0x1f: {  	s9 =	smul.u32 $0xF7A, s1;
	s8 =	simm.s32 @!p0 $0x1BF5;
	p2 =	por !p2, p0  }
0x20: {  	[sflag:s8] =	ssyncset.s32 @!p0 $0xFFFFF086;
	s6 =	sadd.s32 @!p0 s3, s7;
	s7 =	simm.s32 @!p0 $0x108  }
0x21: {  	s3 =	sadd.s32 s3, s9;
	s6 =	sadd.s32 @!p0 $0x88, s6;
	s7 =	simm.s32 @p2 $0x1082  }
0x22: {  	[simem:s7], [sflag:s8] =	dma.local @!p0 [hbm:s6], $0xF7A  }
0x23: {  	s9 =	sor.u32 $0xD0000000, s2;
	s6 =	simm.s32 $0x108;
	_ =	swait.ge @!p0 [sflag:s8], $0x0  }
0x24: {  	s3 =	sadd.s32 $0x88, s3;
	s6 =	simm.s32 @!p1 $0x1082;
	[sflag:s4] =	ssyncset.s32 $0xFFFFF086  }
0x25: {  	[simem:s6], [sflag:s4] =	dma.local [hbm:s3], $0xF7A  }
0x26: {  	[smem:$0x3F9B] =	sst s1;
	(tag) =	ssettag s2;
	_ =	strace s9  }
0x27: {  	s1 =	sld [smem:$0x3FAB]  }
0x28: {  	s2 =	sld [smem:$0x3FAC]  }
0x29: {  	s4 =	sld [smem:$0x3FAE]  }
0x2a: {  	p0 =	seq.s32 s5, $0x0;
	s5 =	sld [smem:$0x3FAF]  }
0x2b: {  	s6 =	sld [smem:$0x3FB0]  }
0x2c: {  	s7 =	sld [smem:$0x3FB1]  }
0x2d: {  	s3 =	simm.s32 $0x108;
	s8 =	sld [smem:$0x3FB2]  }
0x2e: {  	s3 =	simm.s32 @!p0 $0x1082;
	s9 =	sld [smem:$0x3FB3]  }
0x2f: {  	lr =	sadd.s32 s0, s3;
	s0 =	sld [smem:$0x3FAA]  }
0x30: {  	s3 =	sld [smem:$0x3FAD]  }
0x31: {  	[smem:$0x3FB6] =	sst s10  }
0x32: {  	s10 =	sld [smem:$0x3FB4];
	_ =	sdelay $0x3  }
0x33: {  	p0 =	seq.s32 s10, $0x1;
	s10 =	sld [smem:$0x3FB6];
	_ =	sdelay $0x3  }
0x34: {  	[smem:$0x3FB6] =	sst s10  }
0x35: {  	s10 =	sld [smem:$0x3FB5];
	_ =	sdelay $0x3  }
0x36: {  	p1 =	seq.s32 s10, $0x1;
	s10 =	sld [smem:$0x3FB6];
	_ =	sdelay $0x3  }
0x37: {  	[smem:$0x3FB6] =	sst s10  }
0x38: {  	s10 =	sld [smem:$0x3FB7]  }
0x39: {  	_ = 	snop;
	(pc) =	sbr.ind lr, $3  }
0x3a: {  	_ = 	snop  }
0x3b: {  	_ = 	snop  }
0x3c: {  	p2 =	seq.s32 s10, $0x1;
	s10 =	sld [smem:$0x3FB6]  }
0x3d: {  	_ =	shalt  }
0x3e: {  	_ =	shalt  }
0x3f: {  	_ =	shalt  }
0x40: {  	_ =	shalt  }
0x41: {  	_ =	shalt  }
0x42: {  	_ =	shalt  }
0x43: {  	_ =	shalt  }
0x44: {  	_ =	shalt  }
0x45: {  	_ =	shalt  }
0x46: {  	_ =	shalt  }
0x47: {  	_ =	shalt  }
0x48: {  	_ =	shalt  }
0x49: {  	_ =	shalt  }
0x4a: {  	_ =	shalt  }
0x4b: {  	_ =	shalt  }
0x4c: {  	_ =	shalt  }
0x4d: {  	_ =	shalt  }
0x4e: {  	_ =	shalt  }
0x4f: {  	_ =	shalt  }
0x50: {  	_ =	shalt  }
0x51: {  	_ =	shalt  }
0x52: {  	_ =	shalt  }
0x53: {  	_ =	shalt  }
0x54: {  	_ =	shalt  }
0x55: {  	_ =	shalt  }
0x56: {  	_ =	shalt  }
0x57: {  	_ =	shalt  }
0x58: {  	_ =	shalt  }
0x59: {  	_ =	shalt  }
0x5a: {  	_ =	shalt  }
0x5b: {  	_ =	shalt  }
0x5c: {  	_ =	shalt  }
0x5d: {  	_ =	shalt  }
0x5e: {  	_ =	shalt  }
0x5f: {  	_ =	shalt  }
0x60: {  	_ =	shalt  }
0x61: {  	_ =	shalt  }
0x62: {  	_ =	shalt  }
0x63: {  	_ =	shalt  }
0x64: {  	_ =	shalt  }
0x65: {  	_ =	shalt  }
0x66: {  	_ =	shalt  }
0x67: {  	_ =	shalt  }
0x68: {  	_ =	shalt  }
0x69: {  	_ =	shalt  }
0x6a: {  	_ =	shalt  }
0x6b: {  	_ =	shalt  }
0x6c: {  	_ =	shalt  }
0x6d: {  	_ =	shalt  }
0x6e: {  	_ =	shalt  }
0x6f: {  	_ =	shalt  }
0x70: {  	_ =	shalt  }
0x71: {  	_ =	shalt  }
0x72: {  	_ =	shalt  }
0x73: {  	_ =	shalt  }
0x74: {  	_ =	shalt  }
0x75: {  	_ =	shalt  }
0x76: {  	_ =	shalt  }
0x77: {  	_ =	shalt  }
0x78: {  	_ =	shalt  }
0x79: {  	_ =	shalt  }
0x7a: {  	_ =	shalt  }
0x7b: {  	_ =	shalt  }
0x7c: {  	_ =	shalt  }
0x7d: {  	_ =	shalt  }
0x7e: {  	_ =	shalt  }
0x7f: {  	_ =	shalt  }
0x80: {  	_ =	shalt  }
0x81: {  	_ =	shalt  }
0x82: {  	_ =	shalt  }
0x83: {  	_ =	shalt  }
0x84: {  	_ =	shalt  }
0x85: {  	_ =	shalt  }
0x86: {  	_ =	shalt  }
0x87: {  	_ =	shalt  }
.Lfunc_end0:
.L_simem_size_0:
called_computation.2_lowered:
.L_overlay_start_0:
0x88: {  	s2 =	sld [smem:$0x3FD9]  }
0x89: {  	s3 =	sld [smem:$0x3FFE];
	_ =	sdelay $0x1  }
0x8a: {  	s1 =	srdreg.scid  }
0x8b: {  	s0 =	sand.u32 $0x1, s1  }
0x8c: {  	s16 =	sshll.u32 s0, $0xA;
	s2 =	sadd.s32 s3, s2  }
0x8d: {  	s2 =	sadd.s32 s2, s16  }
0x8e: {  	[smem:$0x3FC2] =	sst s2  }
0x8f: {  	_ = 	snop  }
0x90: {  	(tm) =	ssettm $0x1  }
0x91: {  	s17 =	sld [smem:$0x3FFB];
	_ =	sdelay $0x3  }
0x92: {  	_ =	strace s17  }
0x93: {  	s2 =	sld [smem:$0x3FFC];
	_ =	sdelay $0x3  }
0x94: {  	_ =	strace s2  }
0x95: {  	s2 =	sld [smem:$0x3FFD];
	_ =	sdelay $0x3  }
0x96: {  	_ =	strace s2  }
0x97: {  	_ =	strace $0x8FFFFFFF  }
0x98: {  	s18 =	sld [smem:$0x3FDB];
	_ =	sdelay $0x1  }
0x99: {  	s19 =	simm.s32 $_scs_section_size  }
0x9a: {  	s4 =	simm.s32 $_size__tile_overlayer_lowered;
	s5 =	simm.s32 $_tile_overlayer_lowered  }
0x9b: {  	s22 =	simm.s32 $0x1BFF;
	s21 =	sshll.u32 s5, $0x1;
	s2 =	sadd.s32 s19, s18  }
0x9c: {  	s6 =	simm.s32 $0x0;
	s20 =	sshll.u32 s4, $0x1;
	s4 =	sadd.s32 s21, s2  }
0x9d: {  	[timem:s6], [sflag:s22] =	dma.local [hbm:s4], s20  }
0x9e: {  	_ =	swait.ge [sflag:s22], s20  }
0x9f: {  	s3 =	ssub.s32 $0x0, s20;
	[sflag:s22] =	ssyncset.done $0x0  }
0xa0: {  	[sflag:s22] =	ssyncadd.s32 s3;
	_ =	sdelay $0x1  }
0xa1: {  	s23 =	simm.s32 $0x1B8B  }
0xa2: {  	_ =	swait.ge [sflag:s23], $0x1  }
0xa3: {  	[sflag:s23] =	ssyncset.done $0x0  }
0xa4: {  	s25 =	simm.s32 $0x1B8E;
	s24 =	sld [smem:$0x3FFE];
	[sflag:s23] =	ssyncadd.s32 $0xFFFFFFFF  }
0xa5: {  	s26 =	simm.s32 $execute0_lowered;
	[smem:$0x3FD2] =	sst s25  }
0xa6: {  	s4 =	sshll.u32 s26, $0x1;
	_ =	strace $0x8000004C;
	[dreg:$0x1] =	wrdreg $0xFFFFFFFF  }
0xa7: {  	s28 =	simm.s32 $_size_execute0_lowered;
	s2 =	sadd.s32 s2, s4;
	[dreg:$0x0] =	wrdreg $0x0  }
0xa8: {  	s4 =	sshll.u32 s28, $0x1;
	[dreg:$0x2] =	wrdreg s2  }
0xa9: {  	[dreg:$0x3] =	wrdreg s4  }
0xaa: {  	[dreg:$0x4] =	wrdreg $0xC0  }
0xab: {  	_ =	task [dreg:s6], $0x5FFFF  }
0xac: {  	[dreg:$0x1] =	wrdreg $0xFFFFFFFF  }
0xad: {  	[dreg:$0x0] =	wrdreg $0x60  }
0xae: {  	[dreg:$0x2] =	wrdreg s24  }
0xaf: {  	[dreg:$0x3] =	wrdreg $0xD0000  }
0xb0: {  	[dreg:$0x4] =	wrdreg $0x9  }
0xb1: {  	_ =	task.clear_ibuf [dreg:s6], $0x5FFFF;
	_ =	strace $0x9000004C  }
0xb2: {  	s29 =	simm.s32 $0x9;
	_ =	strace $0x8000004E  }
0xb3: {  	_ =	swait.ge [sflag:s29], $0x1  }
0xb4: {  	[sflag:s29] =	ssyncadd.s32 $0xFFFFFFFF  }
0xb5: {  	_ =	strace $0x9000004E  }
0xb6: {  	_ =	sfence  }
0xb7: {  	s30 =	sld [smem:$0x0];
	_ =	sdelay $0x2  }
0xb8: {  	s31 =	sshll.u32 s1, $0xD;
	s1 =	sshrl.u32 s1, $0x2  }
0xb9: {  	s3 =	sand.u32 $0x4000, s31;
	s1 =	sadd.s32 s1, s30  }
0xba: {  	s0 =	sor.u32 s3, s0;
	s1 =	sshll.u32 s1, $0x11  }
0xbb: {  	s0 =	sor.u32 s1, s0  }
0xbc: {  	s0 =	sadd.s32 $0x8F2B, s0  }
0xbd: {  	[sflag:s0] =	ssyncadd.remote.s32 $0x1  }
0xbe: {  	_ =	sfence.sel $0xFFFF  }
0xbf: {  	[dreg:$0x0] =	wrdreg $0xFFFFFFFF;
	(pc) =	sbr.abs _section_cstart, $3  }
0xc0: {  	[dreg:$0x1] =	wrdreg $0xFFFFFFFF  }
0xc1: {  	_ =	task.clear_ibuf [dreg:s6], $0x2FFFF;
	_ =	strace $0x9FFFFFFF  }
0xc2: {  	(tm) =	ssettm $0x7FFFFFFF  }
0xc3: {  	_ =	shalt  }
tec
execute0_lowered:
.L_overlay_start_1:
0x0: {  	(tag) =	ssettag $0x1  }
0x1: {  	s0 =	srdreg.scid  }
0x2: {  	s31 =	stileid.u32;
	s5 =	rddreg [dreg:$0x0]  }
0x3: {  	s2 =	rddreg [dreg:$0x1];
	s22 =	simm.s32 $0x0;
	s30 =	simm.s32 $0x2800  }
0x4: {  	s9 =	simm.s32 $0x1;
	s24 =	simm.s32 $0x2C00;
	s12 =	simm.s32 $0x5000  }
0x5: {  	s25 =	simm.s32 $0x800;
	s11 =	simm.s32 $0x9000;
	s26 =	simm.s32 $0xC00  }
0x6: {  	s10 =	simm.s32 $0x4;
	s29 =	simm.s32 $0x3000;
	s28 =	simm.s32 $0x3400  }
0x7: {  	s17 =	simm.s32 $0x4400;
	p0 =	por $0x0, $0x0;
	s18 =	simm.s32 $0x2000  }
0x8: {  	s16 =	simm.s32 $0x2400;
	s15 =	simm.s32 $0x4800;
	s14 =	simm.s32 $0x4C00  }
0x9: {  	s13 =	simm.s32 $0x5;
	[smem:$0x7FF] =	sst s22;
	s7 =	sadd.s32 $0x15C00, s5  }
0xa: {  	s0 =	sand.u32 $0x1, s0;
	_ =	strace $0x8000004D;
	[dreg:$0x3] =	wrdreg s7  }
0xb: {  	s6 =	smul.u32 $0x2800, s31;
	s4 =	sadd.s32 $0x66200, s5;
	[dreg:$0x8] =	wrdreg s24  }
0xc: {  	s1 =	sshll.u32 s0, $0x4;
	s3 =	smul.u32 $0x28000, s0;
	[dreg:$0x9] =	wrdreg s25  }
0xd: {  	s0 =	ssub.s32 $0x2, s0;
	s7 =	simm.s32 $0x2;
	[dreg:$0xa] =	wrdreg s26  }
0xe: {  	s26 =	simm.s32 $0x1000;
	s25 =	simm.s32 $0x1400;
	s1 =	sor.u32 s31, s1  }
0xf: {  	s24 =	simm.s32 $0x3800;
	s8 =	sshrl.u32 s0, $0x1;
	s1 =	smul.u32 $0x500, s1  }
0x10: {  	s3 =	sadd.s32 s6, s3;
	s0 =	ssub.s32 s0, s8;
	s6 =	sadd.s32 s6, s2  }
0x11: {  	s8 =	simm.s32 $0x400;
	s19 =	sshrl.u32 s3, $0x3;
	s3 =	sshll.u32 s31, $0x6  }
0x12: {  	s0 =	smax.u32 s0, $0x1;
	s1 =	sadd.s32 s1, s5;
	s5 =	sadd.s32 s19, s5  }
0x13: {  	s20 =	sor.u32 $0x1C01, s3;
	s19 =	simm.s32 $0x4000;
	p1 =	sne.s32 s0, $0x1  }
.Ltmp0:
0x14: {  	[dreg:$0x4] =	wrdreg s20;
	s21 =	sadd.s32 $0x1C00, s1;
	(pc) =	sbr.rel @!p1 .LBB2_5-.Ltmp0, $4  }
0x15: {  	s1 =	sadd.s32 $0xBC00, s1;
	s23 =	sadd.s32 $0x6B200, s5;
	[dreg:$0x5] =	wrdreg s21  }
0x16: {  	s5 =	sshrl.u32 s6, $0x3;
	s6 =	simm.s32 $0x3;
	[dreg:$0x6] =	wrdreg s1  }
0x17: {  	s20 =	simm.s32 $0x1C00;
	[dreg:$0x7] =	wrdreg s23;
	s23 =	simm.s32 $0x3C00  }
0x18: {  	s21 =	simm.s32 $0x1800;
	s1 =	sadd.s32 $0xFFFFFFFF, s0;
	s0 =	rddreg [dreg:$0x3]  }
0x19: {  	s31 =	rddreg [dreg:$0x4]  }
0x1a: {  	[spmem:s5], [sflag:s31] =	dma.local [hbm:s0], $0x500  }
0x1b: {  	s0 =	rddreg [dreg:$0x5]  }
0x1c: {  	[tilespmem:s22], [sflag:$0x2] =	stream.linear.gather [hbm4b:s0+s22], $0x2800, $0x38;
	[tilespmem:$0xF800] =	vst v63  }
0x1d: {  	s31 =	rddreg [dreg:$0x6]  }
0x1e: {  	[tilespmem:s30], [sflag:$0x3] =	stream.linear.gather [hbm4b:s31+s22], $0x2800, $0x38;
	[tilespmem:$0xF800] =	vst v63  }
0x1f: {  	_ =	swait.ge [sflag:s9], $0x500  }
0x20: {  	[sflag:s9] =	ssyncset.done $0x0  }
0x21: {  	[sflag:s9] =	ssyncadd.s32 $0xFFFFFB00  }
0x22: {  	_ =	swait.ge [sflag:s7], $0x2800  }
0x23: {  	[sflag:s7] =	ssyncset.done $0x0  }
0x24: {  	[sflag:s7] =	ssyncadd.s32 $0xFFFFD800  }
0x25: {  	_ =	swait.ge [sflag:s6], $0x2800  }
0x26: {  	[sflag:s6] =	ssyncset.done $0x0  }
0x27: {  	[sflag:s6] =	ssyncadd.s32 $0xFFFFD800  }
0x28: {  	[bflag:$0x0] =	sbarrier.arrive $0xFFFF  }
0x29: {  	[tilespmem:s12], [sflag:$0x1] =	stream.indirect.gather [hbm4b:s4+s8], $0x10, s22, s8, $0xb8;
	[tilespmem:$0xF800] =	vst v63  }
0x2a: {  	_ = 	snop  }
0x2b: {  	[tilespmem:s11], [sflag:$0x2] =	stream.indirect.gather [hbm4b:s4+s8], $0x10, s8, s8, $0xb8;
	[tilespmem:$0xF800] =	vst v63  }
0x2c: {  	_ =	swait.ge [sflag:s9], $0x4000  }
0x2d: {  	[sflag:s9] =	ssyncset.done $0x0  }
0x2e: {  	[sflag:s9] =	ssyncadd.s32 $0xFFFFC000  }
0x2f: {  	[spmem:s2] =	stream.indirect.scatter.add.f32 [tilespmem:s12], [sflag:$0x3], $0x10, s30, s8, $0xb8;
	[tilespmem:$0xF800] =	vst v63  }
0x30: {  	_ =	swait.ge [sflag:s7], $0x4000  }
0x31: {  	[sflag:s7] =	ssyncset.done $0x0  }
0x32: {  	s0 =	rddreg [dreg:$0x8];
	[sflag:s7] =	ssyncadd.s32 $0xFFFFC000  }
0x33: {  	[spmem:s2] =	stream.indirect.scatter.add.f32 [tilespmem:s11], [sflag:$0x4], $0x10, s0, s8, $0xb8;
	[tilespmem:$0xF800] =	vst v63  }
0x34: {  	_ =	swait.ge [sflag:s6], $0x4000  }
0x35: {  	[sflag:s6] =	ssyncset.done $0x0  }
0x36: {  	s0 =	rddreg [dreg:$0x9];
	[sflag:s6] =	ssyncadd.s32 $0xFFFFC000  }
0x37: {  	[tilespmem:s12], [sflag:$0x1] =	stream.indirect.gather [hbm4b:s4+s8], $0x10, s0, s8, $0xb8;
	[tilespmem:$0xF800] =	vst v63  }
0x38: {  	_ =	swait.ge [sflag:s10], $0x4000  }
0x39: {  	[sflag:s10] =	ssyncset.done $0x0  }
0x3a: {  	s0 =	rddreg [dreg:$0xa];
	[sflag:s10] =	ssyncadd.s32 $0xFFFFC000  }
0x3b: {  	[tilespmem:s11], [sflag:$0x2] =	stream.indirect.gather [hbm4b:s4+s8], $0x10, s0, s8, $0xb8;
	[tilespmem:$0xF800] =	vst v63  }
0x3c: {  	_ =	swait.ge [sflag:s9], $0x4000  }
0x3d: {  	[sflag:s9] =	ssyncset.done $0x0  }
0x3e: {  	[sflag:s9] =	ssyncadd.s32 $0xFFFFC000  }
0x3f: {  	[spmem:s2] =	stream.indirect.scatter.add.f32 [tilespmem:s12], [sflag:$0x3], $0x10, s29, s8, $0xb8;
	[tilespmem:$0xF800] =	vst v63  }
0x40: {  	_ =	swait.ge [sflag:s7], $0x4000  }
0x41: {  	[sflag:s7] =	ssyncset.done $0x0  }
0x42: {  	[sflag:s7] =	ssyncadd.s32 $0xFFFFC000  }
0x43: {  	[spmem:s2] =	stream.indirect.scatter.add.f32 [tilespmem:s11], [sflag:$0x4], $0x10, s28, s8, $0xb8;
	[tilespmem:$0xF800] =	vst v63  }
0x44: {  	_ =	swait.ge [sflag:s6], $0x4000  }
0x45: {  	[sflag:s6] =	ssyncset.done $0x0  }
0x46: {  	[sflag:s6] =	ssyncadd.s32 $0xFFFFC000  }
0x47: {  	[tilespmem:s12], [sflag:$0x1] =	stream.indirect.gather [hbm4b:s4+s8], $0x10, s26, s8, $0xb8;
	[tilespmem:$0xF800] =	vst v63  }
0x48: {  	_ =	swait.ge [sflag:s10], $0x4000  }
0x49: {  	[sflag:s10] =	ssyncset.done $0x0  }
0x4a: {  	[sflag:s10] =	ssyncadd.s32 $0xFFFFC000  }
0x4b: {  	[tilespmem:s11], [sflag:$0x2] =	stream.indirect.gather [hbm4b:s4+s8], $0x10, s25, s8, $0xb8;
	[tilespmem:$0xF800] =	vst v63  }
0x4c: {  	_ =	swait.ge [sflag:s9], $0x4000  }
0x4d: {  	[sflag:s9] =	ssyncset.done $0x0  }
0x4e: {  	[sflag:s9] =	ssyncadd.s32 $0xFFFFC000  }
0x4f: {  	[spmem:s2] =	stream.indirect.scatter.add.f32 [tilespmem:s12], [sflag:$0x3], $0x10, s24, s8, $0xb8;
	[tilespmem:$0xF800] =	vst v63  }
0x50: {  	_ =	swait.ge [sflag:s7], $0x4000  }
0x51: {  	[sflag:s7] =	ssyncset.done $0x0  }
0x52: {  	[sflag:s7] =	ssyncadd.s32 $0xFFFFC000  }
0x53: {  	[spmem:s2] =	stream.indirect.scatter.add.f32 [tilespmem:s11], [sflag:$0x4], $0x10, s23, s8, $0xb8;
	[tilespmem:$0xF800] =	vst v63  }
0x54: {  	_ =	swait.ge [sflag:s6], $0x4000  }
0x55: {  	[sflag:s6] =	ssyncset.done $0x0  }
0x56: {  	[sflag:s6] =	ssyncadd.s32 $0xFFFFC000  }
0x57: {  	[tilespmem:s12], [sflag:$0x1] =	stream.indirect.gather [hbm4b:s4+s8], $0x10, s21, s8, $0xb8;
	[tilespmem:$0xF800] =	vst v63  }
0x58: {  	_ =	swait.ge [sflag:s10], $0x4000  }
0x59: {  	[sflag:s10] =	ssyncset.done $0x0  }
0x5a: {  	[sflag:s10] =	ssyncadd.s32 $0xFFFFC000  }
0x5b: {  	[tilespmem:s11], [sflag:$0x2] =	stream.indirect.gather [hbm4b:s4+s8], $0x10, s20, s8, $0xb8;
	[tilespmem:$0xF800] =	vst v63  }
0x5c: {  	_ =	swait.ge [sflag:s9], $0x4000  }
0x5d: {  	[sflag:s9] =	ssyncset.done $0x0  }
0x5e: {  	[sflag:s9] =	ssyncadd.s32 $0xFFFFC000  }
0x5f: {  	[spmem:s2] =	stream.indirect.scatter.add.f32 [tilespmem:s12], [sflag:$0x3], $0x10, s19, s8, $0xb8;
	[tilespmem:$0xF800] =	vst v63  }
0x60: {  	_ =	swait.ge [sflag:s7], $0x4000  }
0x61: {  	[sflag:s7] =	ssyncset.done $0x0  }
0x62: {  	[sflag:s7] =	ssyncadd.s32 $0xFFFFC000  }
0x63: {  	[spmem:s2] =	stream.indirect.scatter.add.f32 [tilespmem:s11], [sflag:$0x4], $0x10, s17, s8, $0xb8;
	[tilespmem:$0xF800] =	vst v63  }
0x64: {  	_ =	swait.ge [sflag:s6], $0x4000  }
0x65: {  	[sflag:s6] =	ssyncset.done $0x0  }
0x66: {  	[sflag:s6] =	ssyncadd.s32 $0xFFFFC000  }
0x67: {  	[tilespmem:s12], [sflag:$0x1] =	stream.indirect.gather [hbm4b:s4+s8], $0x10, s18, s8, $0xb8;
	[tilespmem:$0xF800] =	vst v63  }
0x68: {  	_ =	swait.ge [sflag:s10], $0x4000  }
0x69: {  	[sflag:s10] =	ssyncset.done $0x0  }
0x6a: {  	[sflag:s10] =	ssyncadd.s32 $0xFFFFC000  }
0x6b: {  	[tilespmem:s11], [sflag:$0x2] =	stream.indirect.gather [hbm4b:s4+s8], $0x10, s16, s8, $0xb8;
	[tilespmem:$0xF800] =	vst v63  }
0x6c: {  	_ =	swait.ge [sflag:s9], $0x4000  }
0x6d: {  	[sflag:s9] =	ssyncset.done $0x0  }
0x6e: {  	[sflag:s9] =	ssyncadd.s32 $0xFFFFC000  }
0x6f: {  	[spmem:s2] =	stream.indirect.scatter.add.f32 [tilespmem:s12], [sflag:$0x3], $0x10, s15, s8, $0xb8;
	[tilespmem:$0xF800] =	vst v63  }
0x70: {  	_ =	swait.ge [sflag:s7], $0x4000  }
0x71: {  	[sflag:s7] =	ssyncset.done $0x0  }
0x72: {  	[sflag:s7] =	ssyncadd.s32 $0xFFFFC000  }
0x73: {  	[spmem:s2] =	stream.indirect.scatter.add.f32 [tilespmem:s11], [sflag:$0x4], $0x10, s14, s8, $0xb8;
	[tilespmem:$0xF800] =	vst v63  }
0x74: {  	_ =	swait.ge [sflag:s6], $0x4000  }
0x75: {  	[sflag:s6] =	ssyncset.done $0x0  }
0x76: {  	[sflag:s6] =	ssyncadd.s32 $0xFFFFC000  }
0x77: {  	_ =	swait.ge [sflag:s10], $0x4000  }
0x78: {  	[sflag:s10] =	ssyncset.done $0x0  }
0x79: {  	[sflag:s10] =	ssyncadd.s32 $0xFFFFC000  }
0x7a: {  	p1 =	sne.s32 s1, $0x1;
	[bflag:$0x0] =	sbarrier.arrive $0xFFFF  }
.Ltmp1:
0x7b: {  	s0 =	rddreg [dreg:$0x7];
	(pc) =	sbr.rel @!p1 .LBB2_2-.Ltmp1, $4  }
0x7c: {  	s31 =	sor.u32 $0x1C05, s3;
	[dreg:$0xb] =	wrdreg s3  }
0x7d: {  	[hbm:s0], [sflag:s31] =	dma.local [spmem:s5], $0x500  }
0x7e: {  	s1 =	sadd.s32 $0xFFFFFFFF, s1;
	_ =	swait.ge [sflag:s13], $0x500  }
0x7f: {  	p0 =	por $0x1, $0x1;
	s0 =	rddreg [dreg:$0x3];
	[sflag:s13] =	ssyncset.done $0x0  }
.LBB2_3:
0x80: {  	s3 =	rddreg [dreg:$0x4];
	[sflag:s13] =	ssyncadd.s32 $0xFFFFFB00  }
0x81: {  	[spmem:s5], [sflag:s3] =	dma.local [hbm:s0], $0x500  }
0x82: {  	s0 =	rddreg [dreg:$0x5]  }
0x83: {  	[tilespmem:s22], [sflag:$0x2] =	stream.linear.gather [hbm4b:s0+s22], $0x2800, $0x38;
	[tilespmem:$0xF800] =	vst v63  }
0x84: {  	s3 =	rddreg [dreg:$0x6]  }
0x85: {  	[tilespmem:s30], [sflag:$0x3] =	stream.linear.gather [hbm4b:s3+s22], $0x2800, $0x38;
	[tilespmem:$0xF800] =	vst v63  }
0x86: {  	_ =	swait.ge [sflag:s9], $0x500  }
0x87: {  	[sflag:s9] =	ssyncset.done $0x0  }
0x88: {  	[sflag:s9] =	ssyncadd.s32 $0xFFFFFB00  }
0x89: {  	_ =	swait.ge [sflag:s7], $0x2800  }
0x8a: {  	[sflag:s7] =	ssyncset.done $0x0  }
0x8b: {  	[sflag:s7] =	ssyncadd.s32 $0xFFFFD800  }
0x8c: {  	_ =	swait.ge [sflag:s6], $0x2800  }
0x8d: {  	[sflag:s6] =	ssyncset.done $0x0  }
0x8e: {  	[sflag:s6] =	ssyncadd.s32 $0xFFFFD800  }
0x8f: {  	[bflag:$0x0] =	sbarrier.arrive $0xFFFF  }
0x90: {  	[tilespmem:s12], [sflag:$0x1] =	stream.indirect.gather [hbm4b:s4+s8], $0x10, s22, s8, $0xb8;
	[tilespmem:$0xF800] =	vst v63  }
0x91: {  	_ = 	snop  }
0x92: {  	[tilespmem:s11], [sflag:$0x2] =	stream.indirect.gather [hbm4b:s4+s8], $0x10, s8, s8, $0xb8;
	[tilespmem:$0xF800] =	vst v63  }
0x93: {  	_ =	swait.ge [sflag:s9], $0x4000  }
0x94: {  	[sflag:s9] =	ssyncset.done $0x0  }
0x95: {  	[sflag:s9] =	ssyncadd.s32 $0xFFFFC000  }
0x96: {  	[spmem:s2] =	stream.indirect.scatter.add.f32 [tilespmem:s12], [sflag:$0x3], $0x10, s30, s8, $0xb8;
	[tilespmem:$0xF800] =	vst v63  }
0x97: {  	_ =	swait.ge [sflag:s7], $0x4000  }
0x98: {  	[sflag:s7] =	ssyncset.done $0x0  }
0x99: {  	s3 =	rddreg [dreg:$0x8];
	[sflag:s7] =	ssyncadd.s32 $0xFFFFC000  }
0x9a: {  	[spmem:s2] =	stream.indirect.scatter.add.f32 [tilespmem:s11], [sflag:$0x4], $0x10, s3, s8, $0xb8;
	[tilespmem:$0xF800] =	vst v63  }
0x9b: {  	_ =	swait.ge [sflag:s6], $0x4000  }
0x9c: {  	[sflag:s6] =	ssyncset.done $0x0  }
0x9d: {  	s3 =	rddreg [dreg:$0x9];
	[sflag:s6] =	ssyncadd.s32 $0xFFFFC000  }
0x9e: {  	[tilespmem:s12], [sflag:$0x1] =	stream.indirect.gather [hbm4b:s4+s8], $0x10, s3, s8, $0xb8;
	[tilespmem:$0xF800] =	vst v63  }
0x9f: {  	_ =	swait.ge [sflag:s10], $0x4000  }
0xa0: {  	[sflag:s10] =	ssyncset.done $0x0  }
0xa1: {  	s3 =	rddreg [dreg:$0xa];
	[sflag:s10] =	ssyncadd.s32 $0xFFFFC000  }
0xa2: {  	[tilespmem:s11], [sflag:$0x2] =	stream.indirect.gather [hbm4b:s4+s8], $0x10, s3, s8, $0xb8;
	[tilespmem:$0xF800] =	vst v63  }
0xa3: {  	_ =	swait.ge [sflag:s9], $0x4000  }
0xa4: {  	[sflag:s9] =	ssyncset.done $0x0  }
0xa5: {  	[sflag:s9] =	ssyncadd.s32 $0xFFFFC000  }
0xa6: {  	[spmem:s2] =	stream.indirect.scatter.add.f32 [tilespmem:s12], [sflag:$0x3], $0x10, s29, s8, $0xb8;
	[tilespmem:$0xF800] =	vst v63  }
0xa7: {  	_ =	swait.ge [sflag:s7], $0x4000  }
0xa8: {  	[sflag:s7] =	ssyncset.done $0x0  }
0xa9: {  	[sflag:s7] =	ssyncadd.s32 $0xFFFFC000  }
0xaa: {  	[spmem:s2] =	stream.indirect.scatter.add.f32 [tilespmem:s11], [sflag:$0x4], $0x10, s28, s8, $0xb8;
	[tilespmem:$0xF800] =	vst v63  }
0xab: {  	_ =	swait.ge [sflag:s6], $0x4000  }
0xac: {  	[sflag:s6] =	ssyncset.done $0x0  }
0xad: {  	[sflag:s6] =	ssyncadd.s32 $0xFFFFC000  }
0xae: {  	[tilespmem:s12], [sflag:$0x1] =	stream.indirect.gather [hbm4b:s4+s8], $0x10, s26, s8, $0xb8;
	[tilespmem:$0xF800] =	vst v63  }
0xaf: {  	_ =	swait.ge [sflag:s10], $0x4000  }
0xb0: {  	[sflag:s10] =	ssyncset.done $0x0  }
0xb1: {  	[sflag:s10] =	ssyncadd.s32 $0xFFFFC000  }
0xb2: {  	[tilespmem:s11], [sflag:$0x2] =	stream.indirect.gather [hbm4b:s4+s8], $0x10, s25, s8, $0xb8;
	[tilespmem:$0xF800] =	vst v63  }
0xb3: {  	_ =	swait.ge [sflag:s9], $0x4000  }
0xb4: {  	[sflag:s9] =	ssyncset.done $0x0  }
0xb5: {  	[sflag:s9] =	ssyncadd.s32 $0xFFFFC000  }
0xb6: {  	[spmem:s2] =	stream.indirect.scatter.add.f32 [tilespmem:s12], [sflag:$0x3], $0x10, s24, s8, $0xb8;
	[tilespmem:$0xF800] =	vst v63  }
0xb7: {  	_ =	swait.ge [sflag:s7], $0x4000  }
0xb8: {  	[sflag:s7] =	ssyncset.done $0x0  }
0xb9: {  	[sflag:s7] =	ssyncadd.s32 $0xFFFFC000  }
0xba: {  	[spmem:s2] =	stream.indirect.scatter.add.f32 [tilespmem:s11], [sflag:$0x4], $0x10, s23, s8, $0xb8;
	[tilespmem:$0xF800] =	vst v63  }
0xbb: {  	_ =	swait.ge [sflag:s6], $0x4000  }
0xbc: {  	[sflag:s6] =	ssyncset.done $0x0  }
0xbd: {  	[sflag:s6] =	ssyncadd.s32 $0xFFFFC000  }
0xbe: {  	[tilespmem:s12], [sflag:$0x1] =	stream.indirect.gather [hbm4b:s4+s8], $0x10, s21, s8, $0xb8;
	[tilespmem:$0xF800] =	vst v63  }
0xbf: {  	_ =	swait.ge [sflag:s10], $0x4000  }
0xc0: {  	[sflag:s10] =	ssyncset.done $0x0  }
0xc1: {  	[sflag:s10] =	ssyncadd.s32 $0xFFFFC000  }
0xc2: {  	[tilespmem:s11], [sflag:$0x2] =	stream.indirect.gather [hbm4b:s4+s8], $0x10, s20, s8, $0xb8;
	[tilespmem:$0xF800] =	vst v63  }
0xc3: {  	_ =	swait.ge [sflag:s9], $0x4000  }
0xc4: {  	[sflag:s9] =	ssyncset.done $0x0  }
0xc5: {  	[sflag:s9] =	ssyncadd.s32 $0xFFFFC000  }
0xc6: {  	[spmem:s2] =	stream.indirect.scatter.add.f32 [tilespmem:s12], [sflag:$0x3], $0x10, s19, s8, $0xb8;
	[tilespmem:$0xF800] =	vst v63  }
0xc7: {  	_ =	swait.ge [sflag:s7], $0x4000  }
0xc8: {  	[sflag:s7] =	ssyncset.done $0x0  }
0xc9: {  	[sflag:s7] =	ssyncadd.s32 $0xFFFFC000  }
0xca: {  	[spmem:s2] =	stream.indirect.scatter.add.f32 [tilespmem:s11], [sflag:$0x4], $0x10, s17, s8, $0xb8;
	[tilespmem:$0xF800] =	vst v63  }
0xcb: {  	_ =	swait.ge [sflag:s6], $0x4000  }
0xcc: {  	[sflag:s6] =	ssyncset.done $0x0  }
0xcd: {  	[sflag:s6] =	ssyncadd.s32 $0xFFFFC000  }
0xce: {  	[tilespmem:s12], [sflag:$0x1] =	stream.indirect.gather [hbm4b:s4+s8], $0x10, s18, s8, $0xb8;
	[tilespmem:$0xF800] =	vst v63  }
0xcf: {  	_ =	swait.ge [sflag:s10], $0x4000  }
0xd0: {  	[sflag:s10] =	ssyncset.done $0x0  }
0xd1: {  	[sflag:s10] =	ssyncadd.s32 $0xFFFFC000  }
0xd2: {  	[tilespmem:s11], [sflag:$0x2] =	stream.indirect.gather [hbm4b:s4+s8], $0x10, s16, s8, $0xb8;
	[tilespmem:$0xF800] =	vst v63  }
0xd3: {  	_ =	swait.ge [sflag:s9], $0x4000  }
0xd4: {  	[sflag:s9] =	ssyncset.done $0x0  }
0xd5: {  	[sflag:s9] =	ssyncadd.s32 $0xFFFFC000  }
0xd6: {  	[spmem:s2] =	stream.indirect.scatter.add.f32 [tilespmem:s12], [sflag:$0x3], $0x10, s15, s8, $0xb8;
	[tilespmem:$0xF800] =	vst v63  }
0xd7: {  	_ =	swait.ge [sflag:s7], $0x4000  }
0xd8: {  	[sflag:s7] =	ssyncset.done $0x0  }
0xd9: {  	[sflag:s7] =	ssyncadd.s32 $0xFFFFC000  }
0xda: {  	[spmem:s2] =	stream.indirect.scatter.add.f32 [tilespmem:s11], [sflag:$0x4], $0x10, s14, s8, $0xb8;
	[tilespmem:$0xF800] =	vst v63  }
0xdb: {  	_ =	swait.ge [sflag:s6], $0x4000  }
0xdc: {  	[sflag:s6] =	ssyncset.done $0x0  }
0xdd: {  	[sflag:s6] =	ssyncadd.s32 $0xFFFFC000  }
0xde: {  	_ =	swait.ge [sflag:s10], $0x4000  }
0xdf: {  	[sflag:s10] =	ssyncset.done $0x0  }
0xe0: {  	p1 =	sne.s32 s1, $0x1;
	[sflag:s10] =	ssyncadd.s32 $0xFFFFC000  }
.Ltmp2:
0xe1: {  	[bflag:$0x0] =	sbarrier.arrive $0xFFFF;
	(pc) =	sbr.rel @p1 .LBB2_3-.Ltmp2, $4  }
0xe2: {  	s3 =	rddreg [dreg:$0x7]  }
0xe3: {  	[hbm:s3], [sflag:s31] =	dma.local [spmem:s5], $0x500  }
0xe4: {  	_ =	swait.ge [sflag:s13], $0x500  }
0xe5: {  	s1 =	sadd.s32 $0xFFFFFFFF, s1;
	s0 =	rddreg [dreg:$0x3];
	[sflag:s13] =	ssyncset.done $0x0  }
0xe6: {  	s31 =	stileid.u32;
	s3 =	rddreg [dreg:$0xb]  }
.LBB2_5:
0xe7: {  	s1 =	rddreg [dreg:$0x4];
	[sflag:s13] =	ssyncadd.s32 @p0 $0xFFFFFB00  }
0xe8: {  	[spmem:s5], [sflag:s1] =	dma.local [hbm:s0], $0x500  }
0xe9: {  	s0 =	rddreg [dreg:$0x5]  }
0xea: {  	[tilespmem:s22], [sflag:$0x2] =	stream.linear.gather [hbm4b:s0+s22], $0x2800, $0x38;
	[tilespmem:$0xF800] =	vst v63  }
0xeb: {  	s1 =	rddreg [dreg:$0x6]  }
0xec: {  	[tilespmem:s30], [sflag:$0x3] =	stream.linear.gather [hbm4b:s1+s22], $0x2800, $0x38;
	[tilespmem:$0xF800] =	vst v63  }
0xed: {  	_ =	swait.ge [sflag:s9], $0x500  }
0xee: {  	[sflag:s9] =	ssyncset.done $0x0  }
0xef: {  	[sflag:s9] =	ssyncadd.s32 $0xFFFFFB00  }
0xf0: {  	_ =	swait.ge [sflag:s7], $0x2800  }
0xf1: {  	[sflag:s7] =	ssyncset.done $0x0  }
0xf2: {  	[sflag:s7] =	ssyncadd.s32 $0xFFFFD800  }
0xf3: {  	_ =	swait.ge [sflag:s6], $0x2800  }
0xf4: {  	[sflag:s6] =	ssyncset.done $0x0  }
0xf5: {  	[sflag:s6] =	ssyncadd.s32 $0xFFFFD800  }
0xf6: {  	[bflag:$0x0] =	sbarrier.arrive $0xFFFF  }
0xf7: {  	[tilespmem:s12], [sflag:$0x1] =	stream.indirect.gather [hbm4b:s4+s8], $0x10, s22, s8, $0xb8;
	[tilespmem:$0xF800] =	vst v63  }
0xf8: {  	_ = 	snop  }
0xf9: {  	[tilespmem:s11], [sflag:$0x2] =	stream.indirect.gather [hbm4b:s4+s8], $0x10, s8, s8, $0xb8;
	[tilespmem:$0xF800] =	vst v63  }
0xfa: {  	_ =	swait.ge [sflag:s9], $0x4000  }
0xfb: {  	[sflag:s9] =	ssyncset.done $0x0  }
0xfc: {  	[sflag:s9] =	ssyncadd.s32 $0xFFFFC000  }
0xfd: {  	[spmem:s2] =	stream.indirect.scatter.add.f32 [tilespmem:s12], [sflag:$0x3], $0x10, s30, s8, $0xb8;
	[tilespmem:$0xF800] =	vst v63  }
0xfe: {  	_ =	swait.ge [sflag:s7], $0x4000  }
0xff: {  	[sflag:s7] =	ssyncset.done $0x0  }
0x100: {  	s30 =	rddreg [dreg:$0x8];
	[sflag:s7] =	ssyncadd.s32 $0xFFFFC000  }
0x101: {  	[spmem:s2] =	stream.indirect.scatter.add.f32 [tilespmem:s11], [sflag:$0x4], $0x10, s30, s8, $0xb8;
	[tilespmem:$0xF800] =	vst v63  }
0x102: {  	_ =	swait.ge [sflag:s6], $0x4000  }
0x103: {  	[sflag:s6] =	ssyncset.done $0x0  }
0x104: {  	s1 =	rddreg [dreg:$0x9];
	[sflag:s6] =	ssyncadd.s32 $0xFFFFC000  }
0x105: {  	[tilespmem:s12], [sflag:$0x1] =	stream.indirect.gather [hbm4b:s4+s8], $0x10, s1, s8, $0xb8;
	[tilespmem:$0xF800] =	vst v63  }
0x106: {  	_ =	swait.ge [sflag:s10], $0x4000  }
0x107: {  	[sflag:s10] =	ssyncset.done $0x0  }
0x108: {  	s22 =	rddreg [dreg:$0xa];
	[sflag:s10] =	ssyncadd.s32 $0xFFFFC000  }
0x109: {  	[tilespmem:s11], [sflag:$0x2] =	stream.indirect.gather [hbm4b:s4+s8], $0x10, s22, s8, $0xb8;
	[tilespmem:$0xF800] =	vst v63  }
0x10a: {  	_ =	swait.ge [sflag:s9], $0x4000  }
0x10b: {  	[sflag:s9] =	ssyncset.done $0x0  }
0x10c: {  	[sflag:s9] =	ssyncadd.s32 $0xFFFFC000  }
0x10d: {  	[spmem:s2] =	stream.indirect.scatter.add.f32 [tilespmem:s12], [sflag:$0x3], $0x10, s29, s8, $0xb8;
	[tilespmem:$0xF800] =	vst v63  }
0x10e: {  	_ =	swait.ge [sflag:s7], $0x4000  }
0x10f: {  	[sflag:s7] =	ssyncset.done $0x0  }
0x110: {  	[sflag:s7] =	ssyncadd.s32 $0xFFFFC000  }
0x111: {  	[spmem:s2] =	stream.indirect.scatter.add.f32 [tilespmem:s11], [sflag:$0x4], $0x10, s28, s8, $0xb8;
	[tilespmem:$0xF800] =	vst v63  }
0x112: {  	_ =	swait.ge [sflag:s6], $0x4000  }
0x113: {  	[sflag:s6] =	ssyncset.done $0x0  }
0x114: {  	[sflag:s6] =	ssyncadd.s32 $0xFFFFC000  }
0x115: {  	[tilespmem:s12], [sflag:$0x1] =	stream.indirect.gather [hbm4b:s4+s8], $0x10, s26, s8, $0xb8;
	[tilespmem:$0xF800] =	vst v63  }
0x116: {  	_ =	swait.ge [sflag:s10], $0x4000  }
0x117: {  	[sflag:s10] =	ssyncset.done $0x0  }
0x118: {  	[sflag:s10] =	ssyncadd.s32 $0xFFFFC000  }
0x119: {  	[tilespmem:s11], [sflag:$0x2] =	stream.indirect.gather [hbm4b:s4+s8], $0x10, s25, s8, $0xb8;
	[tilespmem:$0xF800] =	vst v63  }
0x11a: {  	_ =	swait.ge [sflag:s9], $0x4000  }
0x11b: {  	[sflag:s9] =	ssyncset.done $0x0  }
0x11c: {  	[sflag:s9] =	ssyncadd.s32 $0xFFFFC000  }
0x11d: {  	[spmem:s2] =	stream.indirect.scatter.add.f32 [tilespmem:s12], [sflag:$0x3], $0x10, s24, s8, $0xb8;
	[tilespmem:$0xF800] =	vst v63  }
0x11e: {  	_ =	swait.ge [sflag:s7], $0x4000  }
0x11f: {  	[sflag:s7] =	ssyncset.done $0x0  }
0x120: {  	[sflag:s7] =	ssyncadd.s32 $0xFFFFC000  }
0x121: {  	[spmem:s2] =	stream.indirect.scatter.add.f32 [tilespmem:s11], [sflag:$0x4], $0x10, s23, s8, $0xb8;
	[tilespmem:$0xF800] =	vst v63  }
0x122: {  	_ =	swait.ge [sflag:s6], $0x4000  }
0x123: {  	[sflag:s6] =	ssyncset.done $0x0  }
0x124: {  	[sflag:s6] =	ssyncadd.s32 $0xFFFFC000  }
0x125: {  	[tilespmem:s12], [sflag:$0x1] =	stream.indirect.gather [hbm4b:s4+s8], $0x10, s21, s8, $0xb8;
	[tilespmem:$0xF800] =	vst v63  }
0x126: {  	_ =	swait.ge [sflag:s10], $0x4000  }
0x127: {  	[sflag:s10] =	ssyncset.done $0x0  }
0x128: {  	[sflag:s10] =	ssyncadd.s32 $0xFFFFC000  }
0x129: {  	[tilespmem:s11], [sflag:$0x2] =	stream.indirect.gather [hbm4b:s4+s8], $0x10, s20, s8, $0xb8;
	[tilespmem:$0xF800] =	vst v63  }
0x12a: {  	_ =	swait.ge [sflag:s9], $0x4000  }
0x12b: {  	[sflag:s9] =	ssyncset.done $0x0  }
0x12c: {  	[sflag:s9] =	ssyncadd.s32 $0xFFFFC000  }
0x12d: {  	[spmem:s2] =	stream.indirect.scatter.add.f32 [tilespmem:s12], [sflag:$0x3], $0x10, s19, s8, $0xb8;
	[tilespmem:$0xF800] =	vst v63  }
0x12e: {  	_ =	swait.ge [sflag:s7], $0x4000  }
0x12f: {  	[sflag:s7] =	ssyncset.done $0x0  }
0x130: {  	[sflag:s7] =	ssyncadd.s32 $0xFFFFC000  }
0x131: {  	[spmem:s2] =	stream.indirect.scatter.add.f32 [tilespmem:s11], [sflag:$0x4], $0x10, s17, s8, $0xb8;
	[tilespmem:$0xF800] =	vst v63  }
0x132: {  	_ =	swait.ge [sflag:s6], $0x4000  }
0x133: {  	[sflag:s6] =	ssyncset.done $0x0  }
0x134: {  	[sflag:s6] =	ssyncadd.s32 $0xFFFFC000  }
0x135: {  	[tilespmem:s12], [sflag:$0x1] =	stream.indirect.gather [hbm4b:s4+s8], $0x10, s18, s8, $0xb8;
	[tilespmem:$0xF800] =	vst v63  }
0x136: {  	_ =	swait.ge [sflag:s10], $0x4000  }
0x137: {  	[sflag:s10] =	ssyncset.done $0x0  }
0x138: {  	[sflag:s10] =	ssyncadd.s32 $0xFFFFC000  }
0x139: {  	[tilespmem:s11], [sflag:$0x2] =	stream.indirect.gather [hbm4b:s4+s8], $0x10, s16, s8, $0xb8;
	[tilespmem:$0xF800] =	vst v63  }
0x13a: {  	_ =	swait.ge [sflag:s9], $0x4000  }
0x13b: {  	[sflag:s9] =	ssyncset.done $0x0  }
0x13c: {  	[sflag:s9] =	ssyncadd.s32 $0xFFFFC000  }
0x13d: {  	[spmem:s2] =	stream.indirect.scatter.add.f32 [tilespmem:s12], [sflag:$0x3], $0x10, s15, s8, $0xb8;
	[tilespmem:$0xF800] =	vst v63  }
0x13e: {  	_ =	swait.ge [sflag:s7], $0x4000  }
0x13f: {  	[sflag:s7] =	ssyncset.done $0x0  }
0x140: {  	[sflag:s7] =	ssyncadd.s32 $0xFFFFC000  }
0x141: {  	[spmem:s2] =	stream.indirect.scatter.add.f32 [tilespmem:s11], [sflag:$0x4], $0x10, s14, s8, $0xb8;
	[tilespmem:$0xF800] =	vst v63  }
0x142: {  	_ =	swait.ge [sflag:s6], $0x4000  }
0x143: {  	[sflag:s6] =	ssyncset.done $0x0  }
0x144: {  	[sflag:s6] =	ssyncadd.s32 $0xFFFFC000  }
0x145: {  	_ =	swait.ge [sflag:s10], $0x4000  }
0x146: {  	[sflag:s10] =	ssyncset.done $0x0  }
0x147: {  	[sflag:s10] =	ssyncadd.s32 $0xFFFFC000  }
0x148: {  	[bflag:$0x0] =	sbarrier.arrive $0xFFFF  }
0x149: {  	s30 =	sor.u32 $0x1C05, s3;
	s29 =	rddreg [dreg:$0x7]  }
0x14a: {  	[hbm:s29], [sflag:s30] =	dma.local [spmem:s5], $0x500  }
0x14b: {  	_ =	swait.ge [sflag:s13], $0x500  }
0x14c: {  	[sflag:s13] =	ssyncset.done $0x0  }
0x14d: {  	[sflag:s13] =	ssyncadd.s32 $0xFFFFFB00  }
0x14e: {  	_ =	sfence.sel $0x180000  }
0x14f: {  	[bflag:$0x0] =	sbarrier.arrive $0xFFFF  }
0x150: {  	_ =	strace $0x9000004D  }
0x151: {  	[bflag:$0x2] =	sbarrier.arrive $0xFFFF  }
0x152: {  	p0 =	sne.s32 s31, $0x0;
	s0 =	rddreg [dreg:$0x2]  }
0x153: {  	s0 =	sadd.s32 @!p0 $0x100000, s0  }
0x154: {  	[sflag:s0] =	ssyncadd.tile.s32 @!p0 $0x1;
	_ =	shalt  }
.LBB2_2:
.Ltmp3:
0x155: {  	(pc) =	sbr.rel .LBB2_5-.Ltmp3, $2  }
0x156: {  	_ =	sdelay $0x2  }
0x157: {  	s31 =	stileid.u32;
	s3 =	rddreg [dreg:$0xb]  }
.Lfunc_end2:
_tile_overlayer_lowered:
.L_overlay_start_2:
0x158: {  	(tag) =	ssettag $0x2  }
0x159: {  	s0 =	rddreg [dreg:$0x0];
	s2 =	stileid.u32  }
0x15a: {  	s1 =	rddreg [dreg:$0x1];
	p0 =	sne.s32 s2, $0x0  }
0x15b: {  	s3 =	rddreg [dreg:$0x2];
	[bflag:$0x3] =	sbarrier.arrive $0xFFFF;
	s2 =	simm.s32 @!p0 $0x1C05  }
0x15c: {  	[timem:s3], [sflag:s2] =	dma.local @!p0 [hbm:s0], s1  }
0x15d: {  	s0 =	simm.s32 @!p0 $0x5  }
0x15e: {  	_ =	swait.ge @!p0 [sflag:s0], s1  }
0x15f: {  	s1 =	ssub.s32 @!p0 $0x0, s1;
	[sflag:s0] =	ssyncset.done @!p0 $0x0  }
0x160: {  	[sflag:s0] =	ssyncadd.s32 @!p0 s1  }
0x161: {  	[bflag:$0x3] =	sbarrier.arrive $0xFFFF  }
0x162: {  	_ =	shalt  }

// kernel: kernel.8.cloned.1.call-start
scs
__scs_entry_jumppad:
0x0: {  	(pc) =	sbr.rel $0x88, $3  }
0x1: {  	(tag) =	ssettag $0x0;
	lr =	simm.s32 $0x1  }
0x2: {  	[smem:$0x3F9B] =	sst lr;
	_ =	strace $0xD0000000  }
0x3: {  	_ = 	snop  }
0x4: {  	_ = 	snop  }
0x5: {  	_ = 	snop  }
0x6: {  	_ = 	snop  }
0x7: {  	_ = 	snop  }
__scs_overlays_trampoline_lowered:
0x8: {  	[smem:$0x3FAA] =	sst s0  }
0x9: {  	[smem:$0x3FAB] =	sst s1  }
0xa: {  	[smem:$0x3FAC] =	sst s2  }
0xb: {  	[smem:$0x3FAD] =	sst s3  }
0xc: {  	[smem:$0x3FAE] =	sst s4  }
0xd: {  	[smem:$0x3FAF] =	sst s5  }
0xe: {  	[smem:$0x3FB0] =	sst s6  }
0xf: {  	[smem:$0x3FB1] =	sst s7  }
0x10: {  	[smem:$0x3FB2] =	sst s8  }
0x11: {  	[smem:$0x3FB3] =	sst s9;
	s0 =	simm.s32 @!p0 $0x0  }
0x12: {  	s1 =	sld [smem:$0x3F99];
	s0 =	simm.s32 @p0 $0x1  }
0x13: {  	[smem:$0x3FB4] =	sst s0;
	s0 =	simm.s32 @!p1 $0x0  }
0x14: {  	s2 =	sld [smem:$0x3F98];
	s0 =	simm.s32 @p1 $0x1  }
0x15: {  	[smem:$0x3FB5] =	sst s0;
	s0 =	simm.s32 @!p2 $0x0  }
0x16: {  	s3 =	sld [smem:$0x3FDB];
	s0 =	simm.s32 @p2 $0x1  }
0x17: {  	s4 =	simm.s32 $0x1BF5;
	[smem:$0x3FB7] =	sst s0  }
0x18: {  	s0 =	sld [smem:$0x3F9A];
	_ =	swait.ge [sflag:s4], $0x0  }
0x19: {  	s7 =	sld [smem:$0x3F9B]  }
0x1a: {  	s8 =	sadd.s32 $0xFFFFE003, lr  }
0x1b: {  	s9 =	sadd.s32 $0xFFFFFEF7, lr;
	s5 =	simm.s32 $0xFFFFFFFF;
	p2 =	slt.u32 s8, $0xFFFFF086  }
0x1c: {  	p1 =	slt.u32 s9, $0xF7A;
	s5 =	simm.s32 @!p2 $0x0  }
0x1d: {  	s5 =	simm.s32 @p1 $0x1;
	p0 =	seq.s32 s7, s2  }
0x1e: {  	s7 =	smul.u32 @!p0 $0xF7A, s2;
	p2 =	seq.s32 @!p0 s5, $0x0  }
0x1f: {  	s9 =	smul.u32 $0xF7A, s1;
	s8 =	simm.s32 @!p0 $0x1BF5;
	p2 =	por !p2, p0  }
0x20: {  	[sflag:s8] =	ssyncset.s32 @!p0 $0xFFFFF086;
	s6 =	sadd.s32 @!p0 s3, s7;
	s7 =	simm.s32 @!p0 $0x108  }
0x21: {  	s3 =	sadd.s32 s3, s9;
	s6 =	sadd.s32 @!p0 $0x88, s6;
	s7 =	simm.s32 @p2 $0x1082  }
0x22: {  	[simem:s7], [sflag:s8] =	dma.local @!p0 [hbm:s6], $0xF7A  }
0x23: {  	s9 =	sor.u32 $0xD0000000, s2;
	s6 =	simm.s32 $0x108;
	_ =	swait.ge @!p0 [sflag:s8], $0x0  }
0x24: {  	s3 =	sadd.s32 $0x88, s3;
	s6 =	simm.s32 @!p1 $0x1082;
	[sflag:s4] =	ssyncset.s32 $0xFFFFF086  }
0x25: {  	[simem:s6], [sflag:s4] =	dma.local [hbm:s3], $0xF7A  }
0x26: {  	[smem:$0x3F9B] =	sst s1;
	(tag) =	ssettag s2;
	_ =	strace s9  }
0x27: {  	s1 =	sld [smem:$0x3FAB]  }
0x28: {  	s2 =	sld [smem:$0x3FAC]  }
0x29: {  	s4 =	sld [smem:$0x3FAE]  }
0x2a: {  	p0 =	seq.s32 s5, $0x0;
	s5 =	sld [smem:$0x3FAF]  }
0x2b: {  	s6 =	sld [smem:$0x3FB0]  }
0x2c: {  	s7 =	sld [smem:$0x3FB1]  }
0x2d: {  	s3 =	simm.s32 $0x108;
	s8 =	sld [smem:$0x3FB2]  }
0x2e: {  	s3 =	simm.s32 @!p0 $0x1082;
	s9 =	sld [smem:$0x3FB3]  }
0x2f: {  	lr =	sadd.s32 s0, s3;
	s0 =	sld [smem:$0x3FAA]  }
0x30: {  	s3 =	sld [smem:$0x3FAD]  }
0x31: {  	[smem:$0x3FB6] =	sst s10  }
0x32: {  	s10 =	sld [smem:$0x3FB4];
	_ =	sdelay $0x3  }
0x33: {  	p0 =	seq.s32 s10, $0x1;
	s10 =	sld [smem:$0x3FB6];
	_ =	sdelay $0x3  }
0x34: {  	[smem:$0x3FB6] =	sst s10  }
0x35: {  	s10 =	sld [smem:$0x3FB5];
	_ =	sdelay $0x3  }
0x36: {  	p1 =	seq.s32 s10, $0x1;
	s10 =	sld [smem:$0x3FB6];
	_ =	sdelay $0x3  }
0x37: {  	[smem:$0x3FB6] =	sst s10  }
0x38: {  	s10 =	sld [smem:$0x3FB7]  }
0x39: {  	_ = 	snop;
	(pc) =	sbr.ind lr, $3  }
0x3a: {  	_ = 	snop  }
0x3b: {  	_ = 	snop  }
0x3c: {  	p2 =	seq.s32 s10, $0x1;
	s10 =	sld [smem:$0x3FB6]  }
0x3d: {  	_ =	shalt  }
0x3e: {  	_ =	shalt  }
0x3f: {  	_ =	shalt  }
0x40: {  	_ =	shalt  }
0x41: {  	_ =	shalt  }
0x42: {  	_ =	shalt  }
0x43: {  	_ =	shalt  }
0x44: {  	_ =	shalt  }
0x45: {  	_ =	shalt  }
0x46: {  	_ =	shalt  }
0x47: {  	_ =	shalt  }
0x48: {  	_ =	shalt  }
0x49: {  	_ =	shalt  }
0x4a: {  	_ =	shalt  }
0x4b: {  	_ =	shalt  }
0x4c: {  	_ =	shalt  }
0x4d: {  	_ =	shalt  }
0x4e: {  	_ =	shalt  }
0x4f: {  	_ =	shalt  }
0x50: {  	_ =	shalt  }
0x51: {  	_ =	shalt  }
0x52: {  	_ =	shalt  }
0x53: {  	_ =	shalt  }
0x54: {  	_ =	shalt  }
0x55: {  	_ =	shalt  }
0x56: {  	_ =	shalt  }
0x57: {  	_ =	shalt  }
0x58: {  	_ =	shalt  }
0x59: {  	_ =	shalt  }
0x5a: {  	_ =	shalt  }
0x5b: {  	_ =	shalt  }
0x5c: {  	_ =	shalt  }
0x5d: {  	_ =	shalt  }
0x5e: {  	_ =	shalt  }
0x5f: {  	_ =	shalt  }
0x60: {  	_ =	shalt  }
0x61: {  	_ =	shalt  }
0x62: {  	_ =	shalt  }
0x63: {  	_ =	shalt  }
0x64: {  	_ =	shalt  }
0x65: {  	_ =	shalt  }
0x66: {  	_ =	shalt  }
0x67: {  	_ =	shalt  }
0x68: {  	_ =	shalt  }
0x69: {  	_ =	shalt  }
0x6a: {  	_ =	shalt  }
0x6b: {  	_ =	shalt  }
0x6c: {  	_ =	shalt  }
0x6d: {  	_ =	shalt  }
0x6e: {  	_ =	shalt  }
0x6f: {  	_ =	shalt  }
0x70: {  	_ =	shalt  }
0x71: {  	_ =	shalt  }
0x72: {  	_ =	shalt  }
0x73: {  	_ =	shalt  }
0x74: {  	_ =	shalt  }
0x75: {  	_ =	shalt  }
0x76: {  	_ =	shalt  }
0x77: {  	_ =	shalt  }
0x78: {  	_ =	shalt  }
0x79: {  	_ =	shalt  }
0x7a: {  	_ =	shalt  }
0x7b: {  	_ =	shalt  }
0x7c: {  	_ =	shalt  }
0x7d: {  	_ =	shalt  }
0x7e: {  	_ =	shalt  }
0x7f: {  	_ =	shalt  }
0x80: {  	_ =	shalt  }
0x81: {  	_ =	shalt  }
0x82: {  	_ =	shalt  }
0x83: {  	_ =	shalt  }
0x84: {  	_ =	shalt  }
0x85: {  	_ =	shalt  }
0x86: {  	_ =	shalt  }
0x87: {  	_ =	shalt  }
.Lfunc_end0:
.L_simem_size_0:
called_computation_lowered:
.L_overlay_start_0:
0x88: {  	s2 =	sld [smem:$0x3FD9]  }
0x89: {  	s3 =	sld [smem:$0x3FFE];
	_ =	sdelay $0x1  }
0x8a: {  	s1 =	srdreg.scid  }
0x8b: {  	s0 =	sand.u32 $0x1, s1  }
0x8c: {  	s17 =	sshll.u32 s0, $0xA;
	s2 =	sadd.s32 s3, s2  }
0x8d: {  	s2 =	sadd.s32 s2, s17  }
0x8e: {  	[smem:$0x3FC2] =	sst s2  }
0x8f: {  	_ = 	snop  }
0x90: {  	s2 =	sld [smem:$0x3FD0];
	(tm) =	ssettm $0x1  }
0x91: {  	s18 =	sld [smem:$0x3FFB];
	_ =	sdelay $0x3  }
0x92: {  	_ =	strace s18  }
0x93: {  	s3 =	sld [smem:$0x3FFC];
	_ =	sdelay $0x3  }
0x94: {  	_ =	strace s3  }
0x95: {  	s3 =	sld [smem:$0x3FFD];
	_ =	sdelay $0x3  }
0x96: {  	_ =	strace s3  }
0x97: {  	_ =	strace $0x8FFFFFFF  }
0x98: {  	s19 =	sld [smem:$0x3FDB];
	_ =	sdelay $0x1  }
0x99: {  	s4 =	simm.s32 $_scs_section_size  }
0x9a: {  	s5 =	simm.s32 $_size__tile_overlayer_lowered;
	s6 =	simm.s32 $_tile_overlayer_lowered  }
0x9b: {  	s22 =	simm.s32 $0x1BFF;
	s21 =	sshll.u32 s6, $0x1;
	s3 =	sadd.s32 s4, s19  }
0x9c: {  	s7 =	simm.s32 $0x0;
	s20 =	sshll.u32 s5, $0x1;
	s5 =	sadd.s32 s21, s3  }
0x9d: {  	[timem:s7], [sflag:s22] =	dma.local [hbm:s5], s20  }
0x9e: {  	_ =	swait.ge [sflag:s22], s20  }
0x9f: {  	s4 =	ssub.s32 $0x0, s20;
	[sflag:s22] =	ssyncset.done $0x0  }
0xa0: {  	[sflag:s22] =	ssyncadd.s32 s4;
	_ =	sdelay $0x1  }
0xa1: {  	s23 =	simm.s32 $0x1B8B  }
0xa2: {  	_ =	swait.ge [sflag:s23], $0x1  }
0xa3: {  	[sflag:s23] =	ssyncset.done $0x0  }
0xa4: {  	s25 =	simm.s32 $0x1B8E;
	s24 =	sld [smem:$0x3FFE];
	[sflag:s23] =	ssyncadd.s32 $0xFFFFFFFF  }
0xa5: {  	s26 =	simm.s32 $execute0_lowered;
	[smem:$0x3FD2] =	sst s25  }
0xa6: {  	s5 =	sshll.u32 s26, $0x1;
	_ =	strace $0x80000046;
	[dreg:$0x1] =	wrdreg $0xFFFFFFFF  }
0xa7: {  	s28 =	simm.s32 $_size_execute0_lowered;
	s3 =	sadd.s32 s3, s5;
	[dreg:$0x0] =	wrdreg $0x0  }
0xa8: {  	s5 =	sshll.u32 s28, $0x1;
	[dreg:$0x2] =	wrdreg s3  }
0xa9: {  	[dreg:$0x3] =	wrdreg s5  }
0xaa: {  	[dreg:$0x4] =	wrdreg $0xC0  }
0xab: {  	_ =	task [dreg:s7], $0x5FFFF  }
0xac: {  	[dreg:$0x1] =	wrdreg $0xFFFFFFFF  }
0xad: {  	[dreg:$0x0] =	wrdreg $0x60  }
0xae: {  	[dreg:$0x2] =	wrdreg s24  }
0xaf: {  	[dreg:$0x3] =	wrdreg s2  }
0xb0: {  	[dreg:$0x4] =	wrdreg $0x68000  }
0xb1: {  	[dreg:$0x5] =	wrdreg $0x9  }
0xb2: {  	_ =	task.clear_ibuf [dreg:s7], $0x6FFFF;
	_ =	strace $0x90000046  }
0xb3: {  	s29 =	simm.s32 $0x9;
	_ =	strace $0x80000048  }
0xb4: {  	_ =	swait.ge [sflag:s29], $0x1  }
0xb5: {  	[sflag:s29] =	ssyncadd.s32 $0xFFFFFFFF  }
0xb6: {  	_ =	strace $0x90000048  }
0xb7: {  	_ =	sfence  }
0xb8: {  	s30 =	sld [smem:$0x0];
	_ =	sdelay $0x2  }
0xb9: {  	s31 =	sshll.u32 s1, $0xD;
	s1 =	sshrl.u32 s1, $0x2  }
0xba: {  	s3 =	sand.u32 $0x4000, s31;
	s1 =	sadd.s32 s1, s30  }
0xbb: {  	s0 =	sor.u32 s3, s0;
	s1 =	sshll.u32 s1, $0x11  }
0xbc: {  	s0 =	sor.u32 s1, s0  }
0xbd: {  	s0 =	sadd.s32 $0x8F2B, s0  }
0xbe: {  	[sflag:s0] =	ssyncadd.remote.s32 $0x1  }
0xbf: {  	_ =	sfence.sel $0xFFFF  }
0xc0: {  	[dreg:$0x0] =	wrdreg $0xFFFFFFFF;
	(pc) =	sbr.abs _section_cstart, $3  }
0xc1: {  	[dreg:$0x1] =	wrdreg $0xFFFFFFFF  }
0xc2: {  	_ =	task.clear_ibuf [dreg:s7], $0x2FFFF;
	_ =	strace $0x9FFFFFFF  }
0xc3: {  	(tm) =	ssettm $0x7FFFFFFF  }
tec
execute0_lowered:
.L_overlay_start_1:
0x0: {  	(tag) =	ssettag $0x1  }
0x1: {  	s22 =	rddreg [dreg:$0x0]  }
0x2: {  	s0 =	srdreg.scid;
	s2 =	rddreg [dreg:$0x1]  }
0x3: {  	s3 =	rddreg [dreg:$0x2];
	s4 =	simm.s32 $0x0;
	s23 =	sand.u32 $0x1, s0  }
0x4: {  	s8 =	simm.s32 $0x2800;
	s0 =	stileid.u32;
	s1 =	sshll.u32 s23, $0x4  }
0x5: {  	[smem:$0x7FF] =	sst s4;
	s25 =	smul.u32 $0x2800, s0;
	s5 =	sor.u32 s0, s1  }
0x6: {  	s24 =	sshll.u32 s0, $0x6;
	s1 =	rddreg [dreg:$0x3];
	s5 =	smul.u32 $0x500, s5  }
0x7: {  	_ =	strace $0x80000047;
	s6 =	sor.u32 $0x1C01, s24;
	s7 =	sadd.s32 s25, s3  }
0x8: {  	s7 =	sshrl.u32 s7, $0x3;
	s9 =	sadd.s32 s5, s22;
	s5 =	sadd.s32 $0x15C00, s22  }
0x9: {  	[spmem:s7], [sflag:s6] =	dma.local [hbm:s5], $0x500  }
0xa: {  	[tilespmem:s8], [sflag:$0x2] =	stream.linear.gather [hbm4b:s2+s4], $0x4000, $0x38;
	[tilespmem:$0x9000] =	vst v63  }
0xb: {  	s10 =	simm.s32 $0x1;
	s9 =	sadd.s32 $0xBC00, s9  }
0xc: {  	[tilespmem:s4], [sflag:$0x3] =	stream.linear.gather [hbm4b:s9+s4], $0x2800, $0x38;
	[tilespmem:$0x9000] =	vst v63  }
0xd: {  	_ =	swait.ge [sflag:s10], $0x500  }
0xe: {  	[sflag:s10] =	ssyncset.done $0x0  }
0xf: {  	s11 =	simm.s32 $0x2;
	[sflag:s10] =	ssyncadd.s32 $0xFFFFFB00  }
0x10: {  	_ =	swait.ge [sflag:s11], $0x4000  }
0x11: {  	[sflag:s11] =	ssyncset.done $0x0  }
0x12: {  	s12 =	simm.s32 $0x3;
	[sflag:s11] =	ssyncadd.s32 $0xFFFFC000  }
0x13: {  	_ =	swait.ge [sflag:s12], $0x2800  }
0x14: {  	[sflag:s12] =	ssyncset.done $0x0  }
0x15: {  	[sflag:s12] =	ssyncadd.s32 $0xFFFFD800  }
0x16: {  	s13 =	simm.s32 $0x400;
	[bflag:$0x0] =	sbarrier.arrive $0xFFFF  }
0x17: {  	[spmem:s3] =	stream.indirect.scatter.add.f32 [tilespmem:s8], [sflag:$0x1], $0x10, s4, s13, $0xb8;
	[tilespmem:$0x9000] =	vst v63  }
0x18: {  	_ = 	snop  }
0x19: {  	[spmem:s3] =	stream.indirect.scatter.add.f32 [tilespmem:s8], [sflag:$0x2], $0x10, s13, s13, $0xb8;
	[tilespmem:$0x9000] =	vst v63  }
0x1a: {  	_ =	swait.ge [sflag:s10], $0x4000  }
0x1b: {  	[sflag:s10] =	ssyncset.done $0x0  }
0x1c: {  	s14 =	simm.s32 $0x800;
	[sflag:s10] =	ssyncadd.s32 $0xFFFFC000  }
0x1d: {  	[spmem:s3] =	stream.indirect.scatter.add.f32 [tilespmem:s8], [sflag:$0x1], $0x10, s14, s13, $0xb8;
	[tilespmem:$0x9000] =	vst v63  }
0x1e: {  	_ =	swait.ge [sflag:s11], $0x4000  }
0x1f: {  	[sflag:s11] =	ssyncset.done $0x0  }
0x20: {  	s15 =	simm.s32 $0xC00;
	[sflag:s11] =	ssyncadd.s32 $0xFFFFC000  }
0x21: {  	[spmem:s3] =	stream.indirect.scatter.add.f32 [tilespmem:s8], [sflag:$0x2], $0x10, s15, s13, $0xb8;
	[tilespmem:$0x9000] =	vst v63  }
0x22: {  	_ =	swait.ge [sflag:s10], $0x4000  }
0x23: {  	[sflag:s10] =	ssyncset.done $0x0  }
0x24: {  	s16 =	simm.s32 $0x1000;
	[sflag:s10] =	ssyncadd.s32 $0xFFFFC000  }
0x25: {  	[spmem:s3] =	stream.indirect.scatter.add.f32 [tilespmem:s8], [sflag:$0x1], $0x10, s16, s13, $0xb8;
	[tilespmem:$0x9000] =	vst v63  }
0x26: {  	_ =	swait.ge [sflag:s11], $0x4000  }
0x27: {  	[sflag:s11] =	ssyncset.done $0x0  }
0x28: {  	s17 =	simm.s32 $0x1400;
	[sflag:s11] =	ssyncadd.s32 $0xFFFFC000  }
0x29: {  	[spmem:s3] =	stream.indirect.scatter.add.f32 [tilespmem:s8], [sflag:$0x2], $0x10, s17, s13, $0xb8;
	[tilespmem:$0x9000] =	vst v63  }
0x2a: {  	_ =	swait.ge [sflag:s10], $0x4000  }
0x2b: {  	[sflag:s10] =	ssyncset.done $0x0  }
0x2c: {  	s18 =	simm.s32 $0x1800;
	[sflag:s10] =	ssyncadd.s32 $0xFFFFC000  }
0x2d: {  	[spmem:s3] =	stream.indirect.scatter.add.f32 [tilespmem:s8], [sflag:$0x1], $0x10, s18, s13, $0xb8;
	[tilespmem:$0x9000] =	vst v63  }
0x2e: {  	_ =	swait.ge [sflag:s11], $0x4000  }
0x2f: {  	[sflag:s11] =	ssyncset.done $0x0  }
0x30: {  	s19 =	simm.s32 $0x1C00;
	[sflag:s11] =	ssyncadd.s32 $0xFFFFC000  }
0x31: {  	[spmem:s3] =	stream.indirect.scatter.add.f32 [tilespmem:s8], [sflag:$0x2], $0x10, s19, s13, $0xb8;
	[tilespmem:$0x9000] =	vst v63  }
0x32: {  	_ =	swait.ge [sflag:s10], $0x4000  }
0x33: {  	[sflag:s10] =	ssyncset.done $0x0  }
0x34: {  	s20 =	simm.s32 $0x2000;
	[sflag:s10] =	ssyncadd.s32 $0xFFFFC000  }
0x35: {  	[spmem:s3] =	stream.indirect.scatter.add.f32 [tilespmem:s8], [sflag:$0x1], $0x10, s20, s13, $0xb8;
	[tilespmem:$0x9000] =	vst v63  }
0x36: {  	_ =	swait.ge [sflag:s11], $0x4000  }
0x37: {  	[sflag:s11] =	ssyncset.done $0x0  }
0x38: {  	s21 =	simm.s32 $0x2400;
	[sflag:s11] =	ssyncadd.s32 $0xFFFFC000  }
0x39: {  	[spmem:s3] =	stream.indirect.scatter.add.f32 [tilespmem:s8], [sflag:$0x2], $0x10, s21, s13, $0xb8;
	[tilespmem:$0x9000] =	vst v63  }
0x3a: {  	s26 =	smul.u32 $0x28000, s23;
	s23 =	ssub.s32 $0x2, s23;
	_ =	swait.ge [sflag:s10], $0x4000  }
0x3b: {  	s30 =	sshrl.u32 s23, $0x1;
	[sflag:s10] =	ssyncset.done $0x0  }
0x3c: {  	s24 =	sor.u32 $0x1C04, s24;
	s23 =	ssub.s32 s23, s30;
	[sflag:s10] =	ssyncadd.s32 $0xFFFFC000  }
0x3d: {  	s25 =	sadd.s32 s25, s26;
	s31 =	smax.u32 s23, $0x1;
	_ =	swait.ge [sflag:s11], $0x4000  }
0x3e: {  	s25 =	sshrl.u32 s25, $0x3;
	p0 =	sne.s32 s31, $0x1;
	[sflag:s11] =	ssyncset.done $0x0  }
.Ltmp0:
0x3f: {  	s22 =	sadd.s32 s25, s22;
	[sflag:s11] =	ssyncadd.s32 $0xFFFFC000;
	(pc) =	sbr.rel @!p0 .LBB2_2-.Ltmp0, $4  }
0x40: {  	s23 =	simm.s32 $0x4;
	s22 =	sadd.s32 $0x16200, s22;
	[bflag:$0x0] =	sbarrier.arrive $0xFFFF  }
0x41: {  	[hbm:s22], [sflag:s24] =	dma.local [spmem:s7], $0x500  }
0x42: {  	_ =	swait.ge [sflag:s23], $0x500  }
0x43: {  	s25 =	sadd.s32 $0xFFFFFFFF, s31;
	[sflag:s23] =	ssyncset.done $0x0  }
.LBB2_1:
0x44: {  	p0 =	sne.s32 s25, $0x1;
	s25 =	sadd.s32 $0xFFFFFFFF, s25;
	[sflag:s23] =	ssyncadd.s32 $0xFFFFFB00  }
0x45: {  	[spmem:s7], [sflag:s6] =	dma.local [hbm:s5], $0x500  }
0x46: {  	[tilespmem:s8], [sflag:$0x2] =	stream.linear.gather [hbm4b:s2+s4], $0x4000, $0x38;
	[tilespmem:$0x9000] =	vst v63  }
0x47: {  	_ = 	snop  }
0x48: {  	[tilespmem:s4], [sflag:$0x3] =	stream.linear.gather [hbm4b:s9+s4], $0x2800, $0x38;
	[tilespmem:$0x9000] =	vst v63  }
0x49: {  	_ =	swait.ge [sflag:s10], $0x500  }
0x4a: {  	[sflag:s10] =	ssyncset.done $0x0  }
0x4b: {  	[sflag:s10] =	ssyncadd.s32 $0xFFFFFB00  }
0x4c: {  	_ =	swait.ge [sflag:s11], $0x4000  }
0x4d: {  	[sflag:s11] =	ssyncset.done $0x0  }
0x4e: {  	[sflag:s11] =	ssyncadd.s32 $0xFFFFC000  }
0x4f: {  	_ =	swait.ge [sflag:s12], $0x2800  }
0x50: {  	[sflag:s12] =	ssyncset.done $0x0  }
0x51: {  	[sflag:s12] =	ssyncadd.s32 $0xFFFFD800  }
0x52: {  	[bflag:$0x0] =	sbarrier.arrive $0xFFFF  }
0x53: {  	[spmem:s3] =	stream.indirect.scatter.add.f32 [tilespmem:s8], [sflag:$0x1], $0x10, s4, s13, $0xb8;
	[tilespmem:$0x9000] =	vst v63  }
0x54: {  	_ = 	snop  }
0x55: {  	[spmem:s3] =	stream.indirect.scatter.add.f32 [tilespmem:s8], [sflag:$0x2], $0x10, s13, s13, $0xb8;
	[tilespmem:$0x9000] =	vst v63  }
0x56: {  	_ =	swait.ge [sflag:s10], $0x4000  }
0x57: {  	[sflag:s10] =	ssyncset.done $0x0  }
0x58: {  	[sflag:s10] =	ssyncadd.s32 $0xFFFFC000  }
0x59: {  	[spmem:s3] =	stream.indirect.scatter.add.f32 [tilespmem:s8], [sflag:$0x1], $0x10, s14, s13, $0xb8;
	[tilespmem:$0x9000] =	vst v63  }
0x5a: {  	_ =	swait.ge [sflag:s11], $0x4000  }
0x5b: {  	[sflag:s11] =	ssyncset.done $0x0  }
0x5c: {  	[sflag:s11] =	ssyncadd.s32 $0xFFFFC000  }
0x5d: {  	[spmem:s3] =	stream.indirect.scatter.add.f32 [tilespmem:s8], [sflag:$0x2], $0x10, s15, s13, $0xb8;
	[tilespmem:$0x9000] =	vst v63  }
0x5e: {  	_ =	swait.ge [sflag:s10], $0x4000  }
0x5f: {  	[sflag:s10] =	ssyncset.done $0x0  }
0x60: {  	[sflag:s10] =	ssyncadd.s32 $0xFFFFC000  }
0x61: {  	[spmem:s3] =	stream.indirect.scatter.add.f32 [tilespmem:s8], [sflag:$0x1], $0x10, s16, s13, $0xb8;
	[tilespmem:$0x9000] =	vst v63  }
0x62: {  	_ =	swait.ge [sflag:s11], $0x4000  }
0x63: {  	[sflag:s11] =	ssyncset.done $0x0  }
0x64: {  	[sflag:s11] =	ssyncadd.s32 $0xFFFFC000  }
0x65: {  	[spmem:s3] =	stream.indirect.scatter.add.f32 [tilespmem:s8], [sflag:$0x2], $0x10, s17, s13, $0xb8;
	[tilespmem:$0x9000] =	vst v63  }
0x66: {  	_ =	swait.ge [sflag:s10], $0x4000  }
0x67: {  	[sflag:s10] =	ssyncset.done $0x0  }
0x68: {  	[sflag:s10] =	ssyncadd.s32 $0xFFFFC000  }
0x69: {  	[spmem:s3] =	stream.indirect.scatter.add.f32 [tilespmem:s8], [sflag:$0x1], $0x10, s18, s13, $0xb8;
	[tilespmem:$0x9000] =	vst v63  }
0x6a: {  	_ =	swait.ge [sflag:s11], $0x4000  }
0x6b: {  	[sflag:s11] =	ssyncset.done $0x0  }
0x6c: {  	[sflag:s11] =	ssyncadd.s32 $0xFFFFC000  }
0x6d: {  	[spmem:s3] =	stream.indirect.scatter.add.f32 [tilespmem:s8], [sflag:$0x2], $0x10, s19, s13, $0xb8;
	[tilespmem:$0x9000] =	vst v63  }
0x6e: {  	_ =	swait.ge [sflag:s10], $0x4000  }
0x6f: {  	[sflag:s10] =	ssyncset.done $0x0  }
0x70: {  	[sflag:s10] =	ssyncadd.s32 $0xFFFFC000  }
0x71: {  	[spmem:s3] =	stream.indirect.scatter.add.f32 [tilespmem:s8], [sflag:$0x1], $0x10, s20, s13, $0xb8;
	[tilespmem:$0x9000] =	vst v63  }
0x72: {  	_ =	swait.ge [sflag:s11], $0x4000  }
0x73: {  	[sflag:s11] =	ssyncset.done $0x0  }
0x74: {  	[sflag:s11] =	ssyncadd.s32 $0xFFFFC000  }
0x75: {  	[spmem:s3] =	stream.indirect.scatter.add.f32 [tilespmem:s8], [sflag:$0x2], $0x10, s21, s13, $0xb8;
	[tilespmem:$0x9000] =	vst v63  }
0x76: {  	_ =	swait.ge [sflag:s10], $0x4000  }
0x77: {  	[sflag:s10] =	ssyncset.done $0x0  }
0x78: {  	[sflag:s10] =	ssyncadd.s32 $0xFFFFC000  }
0x79: {  	_ =	swait.ge [sflag:s11], $0x4000  }
0x7a: {  	[sflag:s11] =	ssyncset.done $0x0  }
.Ltmp1:
0x7b: {  	[sflag:s11] =	ssyncadd.s32 $0xFFFFC000;
	(pc) =	sbr.rel @p0 .LBB2_1-.Ltmp1, $4  }
0x7c: {  	[bflag:$0x0] =	sbarrier.arrive $0xFFFF  }
0x7d: {  	[hbm:s22], [sflag:s24] =	dma.local [spmem:s7], $0x500  }
0x7e: {  	_ =	swait.ge [sflag:s23], $0x500  }
0x7f: {  	[sflag:s23] =	ssyncset.done $0x0  }
.LBB2_2:
0x80: {  	[sflag:s23] =	ssyncadd.s32 $0xFFFFFB00  }
0x81: {  	_ =	sfence.sel $0x180000  }
0x82: {  	[bflag:$0x0] =	sbarrier.arrive $0xFFFF  }
0x83: {  	p0 =	sne.s32 s0, $0x0;
	_ =	strace $0x90000047  }
0x84: {  	s0 =	sadd.s32 @!p0 $0x100000, s1;
	[bflag:$0x2] =	sbarrier.arrive $0xFFFF  }
0x85: {  	[sflag:s0] =	ssyncadd.tile.s32 @!p0 $0x1;
	_ =	shalt  }
.Lfunc_end2:
_tile_overlayer_lowered:
.L_overlay_start_2:
0x86: {  	(tag) =	ssettag $0x2  }
0x87: {  	s0 =	rddreg [dreg:$0x0];
	s2 =	stileid.u32  }
0x88: {  	s1 =	rddreg [dreg:$0x1];
	p0 =	sne.s32 s2, $0x0  }
0x89: {  	s3 =	rddreg [dreg:$0x2];
	[bflag:$0x3] =	sbarrier.arrive $0xFFFF;
	s2 =	simm.s32 @!p0 $0x1C04  }
0x8a: {  	[timem:s3], [sflag:s2] =	dma.local @!p0 [hbm:s0], s1  }
0x8b: {  	s0 =	simm.s32 @!p0 $0x4  }
0x8c: {  	_ =	swait.ge @!p0 [sflag:s0], s1  }
0x8d: {  	s1 =	ssub.s32 @!p0 $0x0, s1;
	[sflag:s0] =	ssyncset.done @!p0 $0x0  }
0x8e: {  	[sflag:s0] =	ssyncadd.s32 @!p0 s1  }
0x8f: {  	[bflag:$0x3] =	sbarrier.arrive $0xFFFF  }
0x90: {  	_ =	shalt  }

</sc_bundles>
